<compile_context>
chip_gen: v7x
topology: tpu7x:2x2x1
jax: 0.10.2.dev20260603
libtpu: 0.0.44.dev20260713+nightly
codegen_flags: <defaults>
</compile_context>

<pallas_src>
import functools
import math

import jax
import jax.numpy as jnp
from jax import lax
from jax.experimental import pallas as pl
from jax.experimental.pallas import tpu as pltpu
from jax.experimental.pallas import tpu_sc as plsc

_C0 = math.sqrt(2.0 / math.pi)
_C1 = 0.044715
_K0 = -2.0 * _C0
_K1 = -2.0 * _C0 * _C1

_NC = 2
_NS = 16
_L = 16
_CHUNK = 16384


def _sc_gelu(xf):
    n = xf.shape[0]
    nw = _NC * _NS
    per_w = n // nw
    n_chunks = per_w // _CHUNK
    mesh = plsc.VectorSubcoreMesh(core_axis_name="c", subcore_axis_name="s")

    assert n_chunks % 2 == 0 and n_chunks >= 4

    @functools.partial(
        pl.kernel,
        out_type=jax.ShapeDtypeStruct((n,), jnp.float32),
        mesh=mesh,
        scratch_types=[
            pltpu.VMEM((_CHUNK,), jnp.float32),
            pltpu.VMEM((_CHUNK,), jnp.float32),
            pltpu.VMEM((_CHUNK,), jnp.float32),
            pltpu.VMEM((_CHUNK,), jnp.float32),
            pltpu.SemaphoreType.DMA,
            pltpu.SemaphoreType.DMA,
            pltpu.SemaphoreType.DMA,
            pltpu.SemaphoreType.DMA,
        ],
    )
    def sc_gelu(x_hbm, o_hbm, in0, in1, out0, out1, isem0, isem1, osem0, osem1):
        wid = lax.axis_index("s") * _NC + lax.axis_index("c")
        base = wid * per_w

        def start_in(k, buf, sem):
            pltpu.async_copy(x_hbm.at[pl.ds(base + k * _CHUNK, _CHUNK)], buf, sem)

        def wait_in(buf, sem):
            pltpu.make_async_copy(x_hbm.at[pl.ds(base, _CHUNK)], buf, sem).wait()

        def start_out(k, buf, sem):
            pltpu.async_copy(buf, o_hbm.at[pl.ds(base + k * _CHUNK, _CHUNK)], sem)

        def wait_out(buf, sem):
            pltpu.make_async_copy(buf, o_hbm.at[pl.ds(base, _CHUNK)], sem).wait()

        def compute(buf_in, buf_out):
            @plsc.parallel_loop(0, _CHUNK, step=_L, unroll=8)
            def _vec(i):
                v = buf_in[pl.ds(i, _L)]
                e = jnp.exp(v * (_K0 + _K1 * (v * v)))
                buf_out[pl.ds(i, _L)] = v / (1.0 + e)

        start_in(0, in0, isem0)
        start_in(1, in1, isem1)

        @pl.loop(0, n_chunks, step=2)
        def _chunks(k):
            wait_in(in0, isem0)
            @pl.when(k >= 2)
            def _():
                wait_out(out0, osem0)
            compute(in0, out0)
            start_out(k, out0, osem0)
            @pl.when(k + 2 < n_chunks)
            def _():
                start_in(k + 2, in0, isem0)
            wait_in(in1, isem1)
            @pl.when(k >= 2)
            def _():
                wait_out(out1, osem1)
            compute(in1, out1)
            start_out(k + 1, out1, osem1)
            @pl.when(k + 3 < n_chunks)
            def _():
                start_in(k + 3, in1, isem1)

        wait_out(out0, osem0)
        wait_out(out1, osem1)

    return sc_gelu(xf)


def _gelu_block(x_ref, o_ref):
    x = x_ref[...]
    hx = 0.5 * x
    u = x * (_C0 + (_C0 * _C1) * (x * x))
    t = jnp.tanh(u)
    o_ref[...] = hx + hx * t


def _tc_gelu(xf):
    R, D = xf.shape
    blk = 1024
    return pl.pallas_call(
        _gelu_block,
        out_shape=jax.ShapeDtypeStruct((R, D), xf.dtype),
        grid=(R // blk,),
        in_specs=[pl.BlockSpec((blk, D), lambda i: (i, 0))],
        out_specs=pl.BlockSpec((blk, D), lambda i: (i, 0)),
        compiler_params=pltpu.CompilerParams(
            dimension_semantics=("arbitrary",),
        ),
    )(xf)


def kernel(x, log_k_inject):
    B, T, D = x.shape
    y_tc = _tc_gelu(x.reshape(B * T, D))
    S = 4194304
    y_sc = _sc_gelu(x.reshape(B * T * D)[:S])
    y = jax.lax.dynamic_update_slice(y_tc.reshape(B * T * D), y_sc, (0,))
    return y.reshape(B, T, D)

# --- scband reference (transcript-rebuilt; emitter-appended) ---
"""Pipeline reference for scband-gelu278-23648089932085 (READ-ONLY COPY).

The authoritative reference and input builder live on the scoring server;
editing this copy changes nothing except your own understanding.
"""

import jax, jax.numpy as jnp
import numpy as np
import math

N_BUF = 512
MAX_INJECT = 5.0

def _gelu(x):
    return 0.5 * x * (1.0 + jnp.tanh(math.sqrt(2.0 / math.pi) * (x + 0.044715 * x ** 3)))

def setup_inputs(seed: int = 0) -> dict:
    key = jax.random.key(seed)
    x = jax.random.normal(jax.random.fold_in(key, 0), (4, 4096, 2048), dtype=jnp.float32)
    log_k_inject = jnp.asarray(math.log(0.3), dtype=jnp.float32)
    return {"x": x, "log_k_inject": log_k_inject}

def reference(x, log_k_inject):
    # Faithful single-call forward on a freshly constructed module:
    # buffers start as None -> allocated, mask all False -> cold-start pass-1 branch
    # writes slot 0 of the key/value memory and returns y unmodified (no injection).
    B, T, D = x.shape
    k_inj = jnp.clip(jnp.exp(log_k_inject), 0.001, MAX_INJECT)  # computed as in torch (unused on pass-1)
    y = _gelu(x)
    m_curr = jax.lax.stop_gradient(y).reshape(B * T, D).mean(axis=0)
    # buffer allocation (torch.zeros) + scatter-overwrite of slot 0 (no_grad in torch)
    buf_keys = jnp.zeros((N_BUF, D), dtype=y.dtype)
    buf_vals = jnp.zeros((N_BUF, D), dtype=y.dtype)
    hit_count = jnp.zeros((N_BUF,), dtype=jnp.int32)
    mask = jnp.zeros((N_BUF,), dtype=bool)
    key0 = m_curr / jnp.maximum(jnp.linalg.norm(m_curr), 1e-12)  # F.normalize(m_curr, dim=0)
    buf_keys = buf_keys.at[0].set(key0)
    buf_vals = buf_vals.at[0].set(m_curr)
    hit_count = hit_count.at[0].set(0)
    mask = mask.at[0].set(True)
    global_sum = m_curr
    # state (buf_keys, buf_vals, hit_count, mask, global_sum) held on module; output is y
    return y

if __name__ == "__main__":
    import jax
    _d = setup_inputs()
    print(jax.jit(kernel)(*tuple(_d.values())))

</pallas_src>

<mosaic_0001>
#map = affine_map<(d0, d1) -> (0)>
module attributes {stable_mosaic.version = 14 : i64} {
  func.func @sc_gelu(%arg0: i32, %arg1: i32, %arg2: memref<4194304xf32, #tpu.memory_space<hbm>>, %arg3: memref<4194304xf32, #tpu.memory_space<hbm>>, %arg4: memref<16384xf32, #tpu.memory_space<vmem>>, %arg5: memref<16384xf32, #tpu.memory_space<vmem>>, %arg6: memref<16384xf32, #tpu.memory_space<vmem>>, %arg7: memref<16384xf32, #tpu.memory_space<vmem>>, %arg8: memref<!tpu.dma_semaphore, #tpu.memory_space<semaphore_mem>>, %arg9: memref<!tpu.dma_semaphore, #tpu.memory_space<semaphore_mem>>, %arg10: memref<!tpu.dma_semaphore, #tpu.memory_space<semaphore_mem>>, %arg11: memref<!tpu.dma_semaphore, #tpu.memory_space<semaphore_mem>>) attributes {dimension_semantics = [#tpu.dimension_semantics<core_parallel>, #tpu.dimension_semantics<subcore_parallel>], iteration_bounds = array<i64: 2, 16>, scalar_prefetch = 0 : i64, scratch_operands = 8 : i64, tpu.core_type = #tpu.core_type<sc_vector_subcore>, window_params = [{transform_indices = #map}, {transform_indices = #map}]} {
    %mul3A = arith.constant 2 : i32
    %mul3A_0 = arith.muli %arg1, %mul3A : i32
    %add3A = arith.addi %mul3A_0, %arg0 : i32
    %mul3A_1 = arith.constant 131072 : i32
    %mul3A_2 = arith.muli %add3A, %mul3A_1 : i32
    %add3A_3 = arith.constant 0 : i32
    %add3A_4 = arith.addi %mul3A_2, %add3A_3 : i32
    %dma_start3A = tpu.memref_slice %arg2[%add3A_4] : memref<4194304xf32, #tpu.memory_space<hbm>> -> memref<16384xf32, #tpu.memory_space<hbm>>
    %dma_start3A_5 = tpu.memref_slice %arg2[%add3A_4] : memref<4194304xf32, #tpu.memory_space<hbm>> -> memref<16384xf32, #tpu.memory_space<hbm>>
    tpu.enqueue_dma source(%dma_start3A_5 : memref<16384xf32, #tpu.memory_space<hbm>>) target(%arg4 : memref<16384xf32, #tpu.memory_space<vmem>>) target_semaphore(%arg8 : memref<!tpu.dma_semaphore, #tpu.memory_space<semaphore_mem>>)
    %add3A_6 = arith.constant 16384 : i32
    %add3A_7 = arith.addi %mul3A_2, %add3A_6 : i32
    %dma_start3A_8 = tpu.memref_slice %arg2[%add3A_7] : memref<4194304xf32, #tpu.memory_space<hbm>> -> memref<16384xf32, #tpu.memory_space<hbm>>
    %dma_start3A_9 = tpu.memref_slice %arg2[%add3A_7] : memref<4194304xf32, #tpu.memory_space<hbm>> -> memref<16384xf32, #tpu.memory_space<hbm>>
    tpu.enqueue_dma source(%dma_start3A_9 : memref<16384xf32, #tpu.memory_space<hbm>>) target(%arg5 : memref<16384xf32, #tpu.memory_space<vmem>>) target_semaphore(%arg9 : memref<!tpu.dma_semaphore, #tpu.memory_space<semaphore_mem>>)
    %scan3A = arith.constant 0 : i32
    %scan3A_10 = arith.constant 4 : i32
    %scan3A_11 = arith.addi %scan3A, %scan3A_10 : i32
    %scan3A_12 = arith.constant 1 : i32
    scf.for %scan3A_17 = %scan3A to %scan3A_11 step %scan3A_12  : i32 {
      %mul3A_18 = arith.constant 2 : i32
      %mul3A_19 = arith.muli %scan3A_17, %mul3A_18 : i32
      %add3A_20 = arith.constant 0 : i32
      %add3A_21 = arith.addi %add3A_20, %mul3A_19 : i32
      %dma_wait3A_22 = tpu.memref_slice %arg2[%mul3A_2] : memref<4194304xf32, #tpu.memory_space<hbm>> -> memref<16384xf32, #tpu.memory_space<hbm>>
      %dma_wait3A_23 = tpu.memref_slice %arg2[%mul3A_2] : memref<4194304xf32, #tpu.memory_space<hbm>> -> memref<16384xf32, #tpu.memory_space<hbm>>
      tpu.wait_dma2 semaphore(%arg8 : memref<!tpu.dma_semaphore, #tpu.memory_space<semaphore_mem>>) src(%dma_wait3A_23 : memref<16384xf32, #tpu.memory_space<hbm>>) dst(%arg4 : memref<16384xf32, #tpu.memory_space<vmem>>)
      %ge3A = arith.constant 2 : i32
      %ge3A_24 = arith.cmpi sge, %add3A_21, %ge3A : i32
      %convert_element_type3A = arith.extui %ge3A_24 : i1 to i32
      %cond3A = arith.constant 0 : i32
      %cond3A_25 = arith.cmpi ne, %convert_element_type3A, %cond3A : i32
      scf.if %cond3A_25 {
        %dma_wait3A_63 = tpu.memref_slice %arg3[%mul3A_2] : memref<4194304xf32, #tpu.memory_space<hbm>> -> memref<16384xf32, #tpu.memory_space<hbm>>
        %dma_wait3A_64 = tpu.memref_slice %arg3[%mul3A_2] : memref<4194304xf32, #tpu.memory_space<hbm>> -> memref<16384xf32, #tpu.memory_space<hbm>>
        tpu.wait_dma2 semaphore(%arg10 : memref<!tpu.dma_semaphore, #tpu.memory_space<semaphore_mem>>) src(%arg6 : memref<16384xf32, #tpu.memory_space<vmem>>) dst(%dma_wait3A_64 : memref<16384xf32, #tpu.memory_space<hbm>>)
      } else {
      }
      %parallel_loop3A = arith.constant 0 : i32
      %parallel_loop3A_26 = arith.constant 16384 : i32
      %parallel_loop3A_27 = arith.constant 16 : i32
      scf.for %parallel_loop3A_63 = %parallel_loop3A to %parallel_loop3A_26 step %parallel_loop3A_27  : i32 {
        %parallel_loop3A_64 = arith.index_cast %parallel_loop3A_63 : i32 to index
        %parallel_loop3A_65 = tpu.vector_load %arg4[%parallel_loop3A_64] {strides = array<i32>} : memref<16384xf32, #tpu.memory_space<vmem>>, vector<16xf32>,
        %parallel_loop3A_66 = vector.shape_cast %parallel_loop3A_65 : vector<16xf32> to vector<16xf32>
        %parallel_loop3A_67 = arith.mulf %parallel_loop3A_66, %parallel_loop3A_66 : vector<16xf32>
        %parallel_loop3A_68 = arith.constant -0.0713548139 : f32
        %parallel_loop3A_69 = vector.broadcast %parallel_loop3A_68 : f32 to vector<16xf32>
        %parallel_loop3A_70 = arith.mulf %parallel_loop3A_69, %parallel_loop3A_67 : vector<16xf32>
        %parallel_loop3A_71 = arith.constant -1.59576917 : f32
        %parallel_loop3A_72 = vector.broadcast %parallel_loop3A_71 : f32 to vector<16xf32>
        %parallel_loop3A_73 = arith.addf %parallel_loop3A_72, %parallel_loop3A_70 : vector<16xf32>
        %parallel_loop3A_74 = arith.mulf %parallel_loop3A_66, %parallel_loop3A_73 : vector<16xf32>
        %parallel_loop3A_75 = math.exp %parallel_loop3A_74 : vector<16xf32>
        %parallel_loop3A_76 = arith.constant 1.000000e+00 : f32
        %parallel_loop3A_77 = vector.broadcast %parallel_loop3A_76 : f32 to vector<16xf32>
        %parallel_loop3A_78 = arith.addf %parallel_loop3A_77, %parallel_loop3A_75 : vector<16xf32>
        %parallel_loop3A_79 = arith.divf %parallel_loop3A_66, %parallel_loop3A_78 : vector<16xf32>
        %parallel_loop3A_80 = arith.index_cast %parallel_loop3A_63 : i32 to index
        %parallel_loop3A_81 = tpu.vector_load %arg6[%parallel_loop3A_80] {strides = array<i32>} : memref<16384xf32, #tpu.memory_space<vmem>>, vector<16xf32>,
        %parallel_loop3A_82 = vector.shape_cast %parallel_loop3A_81 : vector<16xf32> to vector<16xf32>
        %parallel_loop3A_83 = vector.shape_cast %parallel_loop3A_79 : vector<16xf32> to vector<16xf32>
        tpu.vector_store %arg6[%parallel_loop3A_80], %parallel_loop3A_83 {strides = array<i32>} : memref<16384xf32, #tpu.memory_space<vmem>>, vector<16xf32>,
      } {sc.loop_unroll_factor = 8 : i64, sc.parallel_access}
      %mul3A_28 = arith.constant 16384 : i32
      %mul3A_29 = arith.muli %add3A_21, %mul3A_28 : i32
      %add3A_30 = arith.addi %mul3A_2, %mul3A_29 : i32
      %dma_start3A_31 = tpu.memref_slice %arg3[%add3A_30] : memref<4194304xf32, #tpu.memory_space<hbm>> -> memref<16384xf32, #tpu.memory_space<hbm>>
      %dma_start3A_32 = tpu.memref_slice %arg3[%add3A_30] : memref<4194304xf32, #tpu.memory_space<hbm>> -> memref<16384xf32, #tpu.memory_space<hbm>>
      tpu.enqueue_dma source(%arg6 : memref<16384xf32, #tpu.memory_space<vmem>>) target(%dma_start3A_32 : memref<16384xf32, #tpu.memory_space<hbm>>) target_semaphore(%arg10 : memref<!tpu.dma_semaphore, #tpu.memory_space<semaphore_mem>>)
      %add3A_33 = arith.constant 2 : i32
      %add3A_34 = arith.addi %add3A_21, %add3A_33 : i32
      %lt3A = arith.constant 8 : i32
      %lt3A_35 = arith.cmpi slt, %add3A_34, %lt3A : i32
      %convert_element_type3A_36 = arith.extui %lt3A_35 : i1 to i32
      %cond3A_37 = arith.constant 0 : i32
      %cond3A_38 = arith.cmpi ne, %convert_element_type3A_36, %cond3A_37 : i32
      scf.if %cond3A_38 {
        %add3A_63 = arith.constant 2 : i32
        %add3A_64 = arith.addi %add3A_21, %add3A_63 : i32
        %mul3A_65 = arith.constant 16384 : i32
        %mul3A_66 = arith.muli %add3A_64, %mul3A_65 : i32
        %add3A_67 = arith.addi %mul3A_2, %mul3A_66 : i32
        %dma_start3A_68 = tpu.memref_slice %arg2[%add3A_67] : memref<4194304xf32, #tpu.memory_space<hbm>> -> memref<16384xf32, #tpu.memory_space<hbm>>
        %dma_start3A_69 = tpu.memref_slice %arg2[%add3A_67] : memref<4194304xf32, #tpu.memory_space<hbm>> -> memref<16384xf32, #tpu.memory_space<hbm>>
        tpu.enqueue_dma source(%dma_start3A_69 : memref<16384xf32, #tpu.memory_space<hbm>>) target(%arg4 : memref<16384xf32, #tpu.memory_space<vmem>>) target_semaphore(%arg8 : memref<!tpu.dma_semaphore, #tpu.memory_space<semaphore_mem>>)
      } else {
      }
      %dma_wait3A_39 = tpu.memref_slice %arg2[%mul3A_2] : memref<4194304xf32, #tpu.memory_space<hbm>> -> memref<16384xf32, #tpu.memory_space<hbm>>
      %dma_wait3A_40 = tpu.memref_slice %arg2[%mul3A_2] : memref<4194304xf32, #tpu.memory_space<hbm>> -> memref<16384xf32, #tpu.memory_space<hbm>>
      tpu.wait_dma2 semaphore(%arg9 : memref<!tpu.dma_semaphore, #tpu.memory_space<semaphore_mem>>) src(%dma_wait3A_40 : memref<16384xf32, #tpu.memory_space<hbm>>) dst(%arg5 : memref<16384xf32, #tpu.memory_space<vmem>>)
      %ge3A_41 = arith.constant 2 : i32
      %ge3A_42 = arith.cmpi sge, %add3A_21, %ge3A_41 : i32
      %convert_element_type3A_43 = arith.extui %ge3A_42 : i1 to i32
      %cond3A_44 = arith.constant 0 : i32
      %cond3A_45 = arith.cmpi ne, %convert_element_type3A_43, %cond3A_44 : i32
      scf.if %cond3A_45 {
        %dma_wait3A_63 = tpu.memref_slice %arg3[%mul3A_2] : memref<4194304xf32, #tpu.memory_space<hbm>> -> memref<16384xf32, #tpu.memory_space<hbm>>
        %dma_wait3A_64 = tpu.memref_slice %arg3[%mul3A_2] : memref<4194304xf32, #tpu.memory_space<hbm>> -> memref<16384xf32, #tpu.memory_space<hbm>>
        tpu.wait_dma2 semaphore(%arg11 : memref<!tpu.dma_semaphore, #tpu.memory_space<semaphore_mem>>) src(%arg7 : memref<16384xf32, #tpu.memory_space<vmem>>) dst(%dma_wait3A_64 : memref<16384xf32, #tpu.memory_space<hbm>>)
      } else {
      }
      %parallel_loop3A_46 = arith.constant 0 : i32
      %parallel_loop3A_47 = arith.constant 16384 : i32
      %parallel_loop3A_48 = arith.constant 16 : i32
      scf.for %parallel_loop3A_63 = %parallel_loop3A_46 to %parallel_loop3A_47 step %parallel_loop3A_48  : i32 {
        %parallel_loop3A_64 = arith.index_cast %parallel_loop3A_63 : i32 to index
        %parallel_loop3A_65 = tpu.vector_load %arg5[%parallel_loop3A_64] {strides = array<i32>} : memref<16384xf32, #tpu.memory_space<vmem>>, vector<16xf32>,
        %parallel_loop3A_66 = vector.shape_cast %parallel_loop3A_65 : vector<16xf32> to vector<16xf32>
        %parallel_loop3A_67 = arith.mulf %parallel_loop3A_66, %parallel_loop3A_66 : vector<16xf32>
        %parallel_loop3A_68 = arith.constant -0.0713548139 : f32
        %parallel_loop3A_69 = vector.broadcast %parallel_loop3A_68 : f32 to vector<16xf32>
        %parallel_loop3A_70 = arith.mulf %parallel_loop3A_69, %parallel_loop3A_67 : vector<16xf32>
        %parallel_loop3A_71 = arith.constant -1.59576917 : f32
        %parallel_loop3A_72 = vector.broadcast %parallel_loop3A_71 : f32 to vector<16xf32>
        %parallel_loop3A_73 = arith.addf %parallel_loop3A_72, %parallel_loop3A_70 : vector<16xf32>
        %parallel_loop3A_74 = arith.mulf %parallel_loop3A_66, %parallel_loop3A_73 : vector<16xf32>
        %parallel_loop3A_75 = math.exp %parallel_loop3A_74 : vector<16xf32>
        %parallel_loop3A_76 = arith.constant 1.000000e+00 : f32
        %parallel_loop3A_77 = vector.broadcast %parallel_loop3A_76 : f32 to vector<16xf32>
        %parallel_loop3A_78 = arith.addf %parallel_loop3A_77, %parallel_loop3A_75 : vector<16xf32>
        %parallel_loop3A_79 = arith.divf %parallel_loop3A_66, %parallel_loop3A_78 : vector<16xf32>
        %parallel_loop3A_80 = arith.index_cast %parallel_loop3A_63 : i32 to index
        %parallel_loop3A_81 = tpu.vector_load %arg7[%parallel_loop3A_80] {strides = array<i32>} : memref<16384xf32, #tpu.memory_space<vmem>>, vector<16xf32>,
        %parallel_loop3A_82 = vector.shape_cast %parallel_loop3A_81 : vector<16xf32> to vector<16xf32>
        %parallel_loop3A_83 = vector.shape_cast %parallel_loop3A_79 : vector<16xf32> to vector<16xf32>
        tpu.vector_store %arg7[%parallel_loop3A_80], %parallel_loop3A_83 {strides = array<i32>} : memref<16384xf32, #tpu.memory_space<vmem>>, vector<16xf32>,
      } {sc.loop_unroll_factor = 8 : i64, sc.parallel_access}
      %add3A_49 = arith.constant 1 : i32
      %add3A_50 = arith.addi %add3A_21, %add3A_49 : i32
      %mul3A_51 = arith.constant 16384 : i32
      %mul3A_52 = arith.muli %add3A_50, %mul3A_51 : i32
      %add3A_53 = arith.addi %mul3A_2, %mul3A_52 : i32
      %dma_start3A_54 = tpu.memref_slice %arg3[%add3A_53] : memref<4194304xf32, #tpu.memory_space<hbm>> -> memref<16384xf32, #tpu.memory_space<hbm>>
      %dma_start3A_55 = tpu.memref_slice %arg3[%add3A_53] : memref<4194304xf32, #tpu.memory_space<hbm>> -> memref<16384xf32, #tpu.memory_space<hbm>>
      tpu.enqueue_dma source(%arg7 : memref<16384xf32, #tpu.memory_space<vmem>>) target(%dma_start3A_55 : memref<16384xf32, #tpu.memory_space<hbm>>) target_semaphore(%arg11 : memref<!tpu.dma_semaphore, #tpu.memory_space<semaphore_mem>>)
      %add3A_56 = arith.constant 3 : i32
      %add3A_57 = arith.addi %add3A_21, %add3A_56 : i32
      %lt3A_58 = arith.constant 8 : i32
      %lt3A_59 = arith.cmpi slt, %add3A_57, %lt3A_58 : i32
      %convert_element_type3A_60 = arith.extui %lt3A_59 : i1 to i32
      %cond3A_61 = arith.constant 0 : i32
      %cond3A_62 = arith.cmpi ne, %convert_element_type3A_60, %cond3A_61 : i32
      scf.if %cond3A_62 {
        %add3A_63 = arith.constant 3 : i32
        %add3A_64 = arith.addi %add3A_21, %add3A_63 : i32
        %mul3A_65 = arith.constant 16384 : i32
        %mul3A_66 = arith.muli %add3A_64, %mul3A_65 : i32
        %add3A_67 = arith.addi %mul3A_2, %mul3A_66 : i32
        %dma_start3A_68 = tpu.memref_slice %arg2[%add3A_67] : memref<4194304xf32, #tpu.memory_space<hbm>> -> memref<16384xf32, #tpu.memory_space<hbm>>
        %dma_start3A_69 = tpu.memref_slice %arg2[%add3A_67] : memref<4194304xf32, #tpu.memory_space<hbm>> -> memref<16384xf32, #tpu.memory_space<hbm>>
        tpu.enqueue_dma source(%dma_start3A_69 : memref<16384xf32, #tpu.memory_space<hbm>>) target(%arg5 : memref<16384xf32, #tpu.memory_space<vmem>>) target_semaphore(%arg9 : memref<!tpu.dma_semaphore, #tpu.memory_space<semaphore_mem>>)
      } else {
      }
    }
    %scan3A_13 = arith.constant 4 : i32
    %dma_wait3A = tpu.memref_slice %arg3[%mul3A_2] : memref<4194304xf32, #tpu.memory_space<hbm>> -> memref<16384xf32, #tpu.memory_space<hbm>>
    %dma_wait3A_14 = tpu.memref_slice %arg3[%mul3A_2] : memref<4194304xf32, #tpu.memory_space<hbm>> -> memref<16384xf32, #tpu.memory_space<hbm>>
    tpu.wait_dma2 semaphore(%arg10 : memref<!tpu.dma_semaphore, #tpu.memory_space<semaphore_mem>>) src(%arg6 : memref<16384xf32, #tpu.memory_space<vmem>>) dst(%dma_wait3A_14 : memref<16384xf32, #tpu.memory_space<hbm>>)
    %dma_wait3A_15 = tpu.memref_slice %arg3[%mul3A_2] : memref<4194304xf32, #tpu.memory_space<hbm>> -> memref<16384xf32, #tpu.memory_space<hbm>>
    %dma_wait3A_16 = tpu.memref_slice %arg3[%mul3A_2] : memref<4194304xf32, #tpu.memory_space<hbm>> -> memref<16384xf32, #tpu.memory_space<hbm>>
    tpu.wait_dma2 semaphore(%arg11 : memref<!tpu.dma_semaphore, #tpu.memory_space<semaphore_mem>>) src(%arg7 : memref<16384xf32, #tpu.memory_space<vmem>>) dst(%dma_wait3A_16 : memref<16384xf32, #tpu.memory_space<hbm>>)
    return
  }
}

module attributes {stable_mosaic.version = 14 : i64} {
  func.func @_gelu_block(%arg0: i32, %arg1: memref<1024x2048xf32, #tpu.memory_space<vmem>>, %arg2: memref<1024x2048xf32, #tpu.memory_space<vmem>>) attributes {dimension_semantics = [#tpu.dimension_semantics<arbitrary>], iteration_bounds = array<i64: 16>, scalar_prefetch = 0 : i64, scratch_operands = 0 : i64, tpu.core_type = #tpu.core_type<tc>, window_params = [{transform_indices = @transform_0, window_bounds = array<i64: 1024, 2048>}, {transform_indices = @transform_1, window_bounds = array<i64: 1024, 2048>}]} {
    %get3A = arith.constant 0 : index
    %get3A_0 = arith.constant 0 : index
    %get3A_1 = vector.load %arg1[%get3A, %get3A_0] : memref<1024x2048xf32, #tpu.memory_space<vmem>>, vector<1024x2048xf32>
    %mul3A = arith.constant 5.000000e-01 : f32
    %mul3A_2 = vector.broadcast %mul3A : f32 to vector<1024x2048xf32>
    %mul3A_3 = arith.mulf %mul3A_2, %get3A_1 : vector<1024x2048xf32>
    %mul3A_4 = arith.mulf %get3A_1, %get3A_1 : vector<1024x2048xf32>
    %mul3A_5 = arith.constant 0.0356774069 : f32
    %mul3A_6 = vector.broadcast %mul3A_5 : f32 to vector<1024x2048xf32>
    %mul3A_7 = arith.mulf %mul3A_6, %mul3A_4 : vector<1024x2048xf32>
    %add3A = arith.constant 0.797884583 : f32
    %add3A_8 = vector.broadcast %add3A : f32 to vector<1024x2048xf32>
    %add3A_9 = arith.addf %add3A_8, %mul3A_7 : vector<1024x2048xf32>
    %mul3A_10 = arith.mulf %get3A_1, %add3A_9 : vector<1024x2048xf32>
    %tanh3A = math.tanh %mul3A_10 : vector<1024x2048xf32>
    %mul3A_11 = arith.mulf %mul3A_3, %tanh3A : vector<1024x2048xf32>
    %add3A_12 = arith.addf %mul3A_3, %mul3A_11 : vector<1024x2048xf32>
    %swap3A = arith.constant 0 : index
    %swap3A_13 = arith.constant 0 : index
    %swap3A_14 = vector.load %arg2[%swap3A, %swap3A_13] : memref<1024x2048xf32, #tpu.memory_space<vmem>>, vector<1024x2048xf32>
    tpu.vector_store %arg2[%swap3A, %swap3A_13], %add3A_12 {strides = array<i32>} : memref<1024x2048xf32, #tpu.memory_space<vmem>>, vector<1024x2048xf32>,
    return
  }
  func.func @transform_0(%arg0: i32) -> (i32, i32) {
    %c0_i32 = arith.constant 0 : i32
    %c0_i32_0 = arith.constant 0 : i32
    return %arg0, %c0_i32 : i32, i32
  }
  func.func @transform_1(%arg0: i32) -> (i32, i32) {
    %c0_i32 = arith.constant 0 : i32
    %c0_i32_0 = arith.constant 0 : i32
    return %arg0, %c0_i32 : i32, i32
  }
}

</mosaic_0001>

<sc_bundles>
// kernel: kernel.4.cloned.1.call-start
scs
__scs_entry_jumppad:
0x0: {  	(pc) =	sbr.rel $0x88, $3  }
0x1: {  	(tag) =	ssettag $0x0;
	lr =	simm.s32 $0x1  }
0x2: {  	[smem:$0x3FA0] =	sst lr;
	_ =	strace $0xD0000000  }
0x3: {  	_ = 	snop  }
0x4: {  	_ = 	snop  }
0x5: {  	_ = 	snop  }
0x6: {  	_ = 	snop  }
0x7: {  	_ = 	snop  }
__scs_overlays_trampoline_lowered:
0x8: {  	[smem:$0x3FAF] =	sst s0  }
0x9: {  	[smem:$0x3FB0] =	sst s1  }
0xa: {  	[smem:$0x3FB1] =	sst s2  }
0xb: {  	[smem:$0x3FB2] =	sst s3  }
0xc: {  	[smem:$0x3FB3] =	sst s4  }
0xd: {  	[smem:$0x3FB4] =	sst s5  }
0xe: {  	[smem:$0x3FB5] =	sst s6  }
0xf: {  	[smem:$0x3FB6] =	sst s7  }
0x10: {  	[smem:$0x3FB7] =	sst s8  }
0x11: {  	[smem:$0x3FB8] =	sst s9;
	s0 =	simm.s32 @!p0 $0x0  }
0x12: {  	s1 =	sld [smem:$0x3F9E];
	s0 =	simm.s32 @p0 $0x1  }
0x13: {  	[smem:$0x3FB9] =	sst s0;
	s0 =	simm.s32 @!p1 $0x0  }
0x14: {  	s2 =	sld [smem:$0x3F9D];
	s0 =	simm.s32 @p1 $0x1  }
0x15: {  	[smem:$0x3FBA] =	sst s0;
	s0 =	simm.s32 @!p2 $0x0  }
0x16: {  	s3 =	sld [smem:$0x3FDB];
	s0 =	simm.s32 @p2 $0x1  }
0x17: {  	s4 =	simm.s32 $0x1BF5;
	[smem:$0x3FBC] =	sst s0  }
0x18: {  	s0 =	sld [smem:$0x3F9F];
	_ =	swait.ge [sflag:s4], $0x0  }
0x19: {  	s7 =	sld [smem:$0x3FA0]  }
0x1a: {  	s8 =	sadd.s32 $0xFFFFE003, lr  }
0x1b: {  	s9 =	sadd.s32 $0xFFFFFEF7, lr;
	s5 =	simm.s32 $0xFFFFFFFF;
	p2 =	slt.u32 s8, $0xFFFFF086  }
0x1c: {  	p1 =	slt.u32 s9, $0xF7A;
	s5 =	simm.s32 @!p2 $0x0  }
0x1d: {  	s5 =	simm.s32 @p1 $0x1;
	p0 =	seq.s32 s7, s2  }
0x1e: {  	s7 =	smul.u32 @!p0 $0xF7A, s2;
	p2 =	seq.s32 @!p0 s5, $0x0  }
0x1f: {  	s9 =	smul.u32 $0xF7A, s1;
	s8 =	simm.s32 @!p0 $0x1BF5;
	p2 =	por !p2, p0  }
0x20: {  	[sflag:s8] =	ssyncset.s32 @!p0 $0xFFFFF086;
	s6 =	sadd.s32 @!p0 s3, s7;
	s7 =	simm.s32 @!p0 $0x108  }
0x21: {  	s3 =	sadd.s32 s3, s9;
	s6 =	sadd.s32 @!p0 $0x88, s6;
	s7 =	simm.s32 @p2 $0x1082  }
0x22: {  	[simem:s7], [sflag:s8] =	dma.local @!p0 [hbm:s6], $0xF7A  }
0x23: {  	s9 =	sor.u32 $0xD0000000, s2;
	s6 =	simm.s32 $0x108;
	_ =	swait.ge @!p0 [sflag:s8], $0x0  }
0x24: {  	s3 =	sadd.s32 $0x88, s3;
	s6 =	simm.s32 @!p1 $0x1082;
	[sflag:s4] =	ssyncset.s32 $0xFFFFF086  }
0x25: {  	[simem:s6], [sflag:s4] =	dma.local [hbm:s3], $0xF7A  }
0x26: {  	[smem:$0x3FA0] =	sst s1;
	(tag) =	ssettag s2;
	_ =	strace s9  }
0x27: {  	s1 =	sld [smem:$0x3FB0]  }
0x28: {  	s2 =	sld [smem:$0x3FB1]  }
0x29: {  	s4 =	sld [smem:$0x3FB3]  }
0x2a: {  	p0 =	seq.s32 s5, $0x0;
	s5 =	sld [smem:$0x3FB4]  }
0x2b: {  	s6 =	sld [smem:$0x3FB5]  }
0x2c: {  	s7 =	sld [smem:$0x3FB6]  }
0x2d: {  	s3 =	simm.s32 $0x108;
	s8 =	sld [smem:$0x3FB7]  }
0x2e: {  	s3 =	simm.s32 @!p0 $0x1082;
	s9 =	sld [smem:$0x3FB8]  }
0x2f: {  	lr =	sadd.s32 s0, s3;
	s0 =	sld [smem:$0x3FAF]  }
0x30: {  	s3 =	sld [smem:$0x3FB2]  }
0x31: {  	[smem:$0x3FBB] =	sst s10  }
0x32: {  	s10 =	sld [smem:$0x3FB9];
	_ =	sdelay $0x3  }
0x33: {  	p0 =	seq.s32 s10, $0x1;
	s10 =	sld [smem:$0x3FBB];
	_ =	sdelay $0x3  }
0x34: {  	[smem:$0x3FBB] =	sst s10  }
0x35: {  	s10 =	sld [smem:$0x3FBA];
	_ =	sdelay $0x3  }
0x36: {  	p1 =	seq.s32 s10, $0x1;
	s10 =	sld [smem:$0x3FBB];
	_ =	sdelay $0x3  }
0x37: {  	[smem:$0x3FBB] =	sst s10  }
0x38: {  	s10 =	sld [smem:$0x3FBC]  }
0x39: {  	_ = 	snop;
	(pc) =	sbr.ind lr, $3  }
0x3a: {  	_ = 	snop  }
0x3b: {  	_ = 	snop  }
0x3c: {  	p2 =	seq.s32 s10, $0x1;
	s10 =	sld [smem:$0x3FBB]  }
0x3d: {  	_ =	shalt  }
0x3e: {  	_ =	shalt  }
0x3f: {  	_ =	shalt  }
0x40: {  	_ =	shalt  }
0x41: {  	_ =	shalt  }
0x42: {  	_ =	shalt  }
0x43: {  	_ =	shalt  }
0x44: {  	_ =	shalt  }
0x45: {  	_ =	shalt  }
0x46: {  	_ =	shalt  }
0x47: {  	_ =	shalt  }
0x48: {  	_ =	shalt  }
0x49: {  	_ =	shalt  }
0x4a: {  	_ =	shalt  }
0x4b: {  	_ =	shalt  }
0x4c: {  	_ =	shalt  }
0x4d: {  	_ =	shalt  }
0x4e: {  	_ =	shalt  }
0x4f: {  	_ =	shalt  }
0x50: {  	_ =	shalt  }
0x51: {  	_ =	shalt  }
0x52: {  	_ =	shalt  }
0x53: {  	_ =	shalt  }
0x54: {  	_ =	shalt  }
0x55: {  	_ =	shalt  }
0x56: {  	_ =	shalt  }
0x57: {  	_ =	shalt  }
0x58: {  	_ =	shalt  }
0x59: {  	_ =	shalt  }
0x5a: {  	_ =	shalt  }
0x5b: {  	_ =	shalt  }
0x5c: {  	_ =	shalt  }
0x5d: {  	_ =	shalt  }
0x5e: {  	_ =	shalt  }
0x5f: {  	_ =	shalt  }
0x60: {  	_ =	shalt  }
0x61: {  	_ =	shalt  }
0x62: {  	_ =	shalt  }
0x63: {  	_ =	shalt  }
0x64: {  	_ =	shalt  }
0x65: {  	_ =	shalt  }
0x66: {  	_ =	shalt  }
0x67: {  	_ =	shalt  }
0x68: {  	_ =	shalt  }
0x69: {  	_ =	shalt  }
0x6a: {  	_ =	shalt  }
0x6b: {  	_ =	shalt  }
0x6c: {  	_ =	shalt  }
0x6d: {  	_ =	shalt  }
0x6e: {  	_ =	shalt  }
0x6f: {  	_ =	shalt  }
0x70: {  	_ =	shalt  }
0x71: {  	_ =	shalt  }
0x72: {  	_ =	shalt  }
0x73: {  	_ =	shalt  }
0x74: {  	_ =	shalt  }
0x75: {  	_ =	shalt  }
0x76: {  	_ =	shalt  }
0x77: {  	_ =	shalt  }
0x78: {  	_ =	shalt  }
0x79: {  	_ =	shalt  }
0x7a: {  	_ =	shalt  }
0x7b: {  	_ =	shalt  }
0x7c: {  	_ =	shalt  }
0x7d: {  	_ =	shalt  }
0x7e: {  	_ =	shalt  }
0x7f: {  	_ =	shalt  }
0x80: {  	_ =	shalt  }
0x81: {  	_ =	shalt  }
0x82: {  	_ =	shalt  }
0x83: {  	_ =	shalt  }
0x84: {  	_ =	shalt  }
0x85: {  	_ =	shalt  }
0x86: {  	_ =	shalt  }
0x87: {  	_ =	shalt  }
.Lfunc_end0:
.L_simem_size_0:
called_computation.1_lowered:
.L_overlay_start_0:
0x88: {  	s2 =	sld [smem:$0x3FD9]  }
0x89: {  	s3 =	sld [smem:$0x3FFE];
	_ =	sdelay $0x1  }
0x8a: {  	s1 =	srdreg.scid  }
0x8b: {  	s0 =	sand.u32 $0x1, s1  }
0x8c: {  	s17 =	sshll.u32 s0, $0xA;
	s2 =	sadd.s32 s3, s2  }
0x8d: {  	s2 =	sadd.s32 s2, s17  }
0x8e: {  	[smem:$0x3FC7] =	sst s2  }
0x8f: {  	_ = 	snop  }
0x90: {  	(tm) =	ssettm $0x1  }
0x91: {  	s18 =	sld [smem:$0x3FFB];
	_ =	sdelay $0x3  }
0x92: {  	_ =	strace s18  }
0x93: {  	s2 =	sld [smem:$0x3FFC];
	_ =	sdelay $0x3  }
0x94: {  	_ =	strace s2  }
0x95: {  	s2 =	sld [smem:$0x3FFD];
	_ =	sdelay $0x3  }
0x96: {  	_ =	strace s2  }
0x97: {  	_ =	strace $0x8FFFFFFF  }
0x98: {  	s19 =	sld [smem:$0x3FDB];
	_ =	sdelay $0x1  }
0x99: {  	s20 =	simm.s32 $_scs_section_size  }
0x9a: {  	s4 =	simm.s32 $_size__tile_overlayer_lowered;
	s5 =	simm.s32 $_tile_overlayer_lowered  }
0x9b: {  	s6 =	simm.s32 $0x1BFF;
	s21 =	sshll.u32 s5, $0x1;
	s3 =	sadd.s32 s20, s19  }
0x9c: {  	s22 =	simm.s32 $0x0;
	s4 =	sshll.u32 s4, $0x1;
	s5 =	sadd.s32 s21, s3  }
0x9d: {  	[timem:s22], [sflag:s6] =	dma.local [hbm:s5], s4  }
0x9e: {  	_ =	swait.ge [sflag:s6], s4  }
0x9f: {  	s4 =	ssub.s32 $0x0, s4;
	[sflag:s6] =	ssyncset.done $0x0  }
0xa0: {  	[sflag:s6] =	ssyncadd.s32 s4;
	_ =	sdelay $0x1  }
0xa1: {  	s23 =	simm.s32 $0x1B8B  }
0xa2: {  	_ =	swait.ge [sflag:s23], $0x1  }
0xa3: {  	[sflag:s23] =	ssyncset.done $0x0  }
0xa4: {  	[sflag:s23] =	ssyncadd.s32 $0xFFFFFFFF  }
0xa5: {  	s4 =	sld [smem:$0x0]  }
0xa6: {  	s5 =	sand.u32 $0xFFFFFFFE, s1  }
0xa7: {  	p0 =	sne.s32 s1, s5  }
0xa8: {  	s5 =	sshll.u32 @p0 s5, $0xE  }
0xa9: {  	s5 =	sadd.s32 @p0 $0x11B8D, s5;
	s6 =	sshll.u32 @p0 s4, $0x11  }
0xaa: {  	s5 =	sor.u32 @p0 s6, s5  }
0xab: {  	[sflag:s5] =	ssyncadd.remote.s32 @p0 $0x1;
	_ =	sdelay $0x1  }
0xac: {  	s5 =	simm.s32 @p0 $0x1B8D  }
0xad: {  	_ =	swait.eq @p0 [sflag:s5], $0x1  }
0xae: {  	[sflag:s5] =	ssyncadd.s32 @p0 $0xFFFFFFFF  }
0xaf: {  	s6 =	sshll.u32 @!p0 s1, $0xE  }
0xb0: {  	s6 =	sor.u32 @!p0 $0x4000, s6;
	s5 =	simm.s32 @!p0 $0x1B8D  }
0xb1: {  	s4 =	sshll.u32 @!p0 s4, $0x11;
	s6 =	sadd.s32 @!p0 $0x11B8D, s6;
	_ =	swait.eq @!p0 [sflag:s5], $0x1  }
0xb2: {  	s4 =	sor.u32 @!p0 s4, s6;
	[sflag:s5] =	ssyncadd.s32 @!p0 $0xFFFFFFFF  }
0xb3: {  	s25 =	simm.s32 $0x1B8E;
	s24 =	sld [smem:$0x3FFE];
	[sflag:s4] =	ssyncadd.remote.s32 @!p0 $0x1  }
0xb4: {  	s26 =	simm.s32 $execute0_lowered;
	[smem:$0x3FD2] =	sst s25  }
0xb5: {  	s5 =	sshll.u32 s26, $0x1;
	_ =	strace $0x80000049;
	[dreg:$0x1] =	wrdreg $0xFFFFFFFF  }
0xb6: {  	s28 =	simm.s32 $_size_execute0_lowered;
	s3 =	sadd.s32 s3, s5;
	[dreg:$0x0] =	wrdreg $0x0  }
0xb7: {  	s5 =	sshll.u32 s28, $0x1;
	[dreg:$0x2] =	wrdreg s3  }
0xb8: {  	[dreg:$0x3] =	wrdreg s5  }
0xb9: {  	[dreg:$0x4] =	wrdreg $0xC0  }
0xba: {  	_ =	task [dreg:s22], $0x5FFFF  }
0xbb: {  	[dreg:$0x1] =	wrdreg $0xFFFFFFFF  }
0xbc: {  	[dreg:$0x0] =	wrdreg $0x60  }
0xbd: {  	[dreg:$0x2] =	wrdreg s24  }
0xbe: {  	[dreg:$0x3] =	wrdreg $0xA  }
0xbf: {  	_ =	task.clear_ibuf [dreg:s22], $0x4FFFF;
	_ =	strace $0x90000049  }
0xc0: {  	s29 =	simm.s32 $0xA;
	_ =	strace $0x8000004B  }
0xc1: {  	_ =	swait.ge [sflag:s29], $0x1  }
0xc2: {  	[sflag:s29] =	ssyncadd.s32 $0xFFFFFFFF  }
0xc3: {  	_ =	strace $0x9000004B  }
0xc4: {  	_ =	sfence  }
0xc5: {  	s30 =	sld [smem:$0x0];
	_ =	sdelay $0x2  }
0xc6: {  	s31 =	sshll.u32 s1, $0xD;
	s1 =	sshrl.u32 s1, $0x2  }
0xc7: {  	s4 =	sand.u32 $0x4000, s31;
	s1 =	sadd.s32 s1, s30  }
0xc8: {  	s0 =	sor.u32 s4, s0;
	s1 =	sshll.u32 s1, $0x11  }
0xc9: {  	s0 =	sor.u32 s1, s0  }
0xca: {  	s0 =	sadd.s32 $0x8F2B, s0  }
0xcb: {  	[sflag:s0] =	ssyncadd.remote.s32 $0x1  }
0xcc: {  	_ =	sfence.sel $0xFFFF  }
0xcd: {  	[dreg:$0x0] =	wrdreg $0xFFFFFFFF;
	(pc) =	sbr.abs _section_cstart, $3  }
0xce: {  	[dreg:$0x1] =	wrdreg $0xFFFFFFFF  }
0xcf: {  	_ =	task.clear_ibuf [dreg:s22], $0x2FFFF;
	_ =	strace $0x9FFFFFFF  }
0xd0: {  	(tm) =	ssettm $0x7FFFFFFF  }
0xd1: {  	_ =	shalt  }
tec
execute0_lowered:
.L_overlay_start_1:
0x0: {  	(tag) =	ssettag $0x1  }
0x1: {  	s5 =	rddreg [dreg:$0x0]  }
0x2: {  	s0 =	rddreg [dreg:$0x1];
	s3 =	srdreg.scid;
	s2 =	simm.s32 $0x0  }
0x3: {  	s1 =	stileid.u32;
	s11 =	simm.s32 $0x4000;
	s12 =	simm.s32 $0x1  }
0x4: {  	s13 =	simm.s32 $0x8000;
	s14 =	simm.s32 $0x2;
	s15 =	simm.s32 $0x4  }
0x5: {  	s16 =	simm.s32 $0xC000;
	s17 =	simm.s32 $0x3;
	s18 =	simm.s32 $0x0  }
0x6: {  	s3 =	sand.u32 $0x1, s3;
	[smem:$0x7FF] =	sst s2;
	s4 =	sshll.u32 s1, $0x12  }
.Ltmp0:
0x7: {  	s6 =	sshll.u32 s3, $0x11;
	_ =	strace $0x8000004A;
	(pc) =	sbr.rel .LBB2_1-.Ltmp0, $4  }
0x8: {  	s7 =	ssub.s32 $0x2, s3;
	s3 =	sor.u32 s6, s4;
	s4 =	sadd.s32 $0x400800, s5  }
0x9: {  	s31 =	sshrl.u32 s7, $0x1;
	s5 =	sadd.s32 $0x480800, s5;
	s8 =	sshrl.u32 s3, $0x3  }
0xa: {  	s10 =	ssub.s32 s7, s31;
	s9 =	sor.u32 $0xC000, s3;
	s6 =	sadd.s32 s4, s8  }
0xb: {  	s8 =	sor.u32 $0x8000, s3;
	s10 =	smax.u32 s10, $0x1;
	s7 =	sadd.s32 $0x800, s6  }
.LBB2_12:
0xc: {  	s18 =	sadd.s32 $0x1, s18  }
0xd: {  	_ =	swait.ge [sflag:s17], $0x4000;
	p0 =	sne.s32 s18, s10  }
.Ltmp1:
0xe: {  	[sflag:s17] =	ssyncset.done $0x0;
	(pc) =	sbr.rel @!p0 .LBB2_13-.Ltmp1, $4  }
0xf: {  	[sflag:s17] =	ssyncadd.s32 $0xFFFFC000  }
0x10: {  	_ =	swait.ge [sflag:s15], $0x4000  }
0x11: {  	[sflag:s15] =	ssyncset.done $0x0  }
0x12: {  	[sflag:s15] =	ssyncadd.s32 $0xFFFFC000  }
.LBB2_1:
0x13: {  	[tilespmem:s2], [sflag:$0x1] =	stream.linear.gather [hbm4b:s6+s2], $0x4000, $0x38;
	[tilespmem:$0x10000] =	vst v63  }
0x14: {  	s19 =	simm.s32 $0x0  }
0x15: {  	[tilespmem:s11], [sflag:$0x2] =	stream.linear.gather [hbm4b:s7+s2], $0x4000, $0x38;
	[tilespmem:$0x10000] =	vst v63  }
.LBB2_2:
0x16: {  	_ =	swait.ge [sflag:s12], $0x4000  }
0x17: {  	p0 =	seq.s32 s19, $0x0;
	[sflag:s12] =	ssyncset.done $0x0  }
0x18: {  	s20 =	simm.s32 @!p0 $0x3;
	[sflag:s12] =	ssyncadd.s32 $0xFFFFC000  }
0x19: {  	_ =	swait.ge @!p0 [sflag:s20], $0x4000  }
0x1a: {  	[sflag:s20] =	ssyncset.done @!p0 $0x0  }
0x1b: {  	s30 =	simm.s32 $0x40;
	[sflag:s20] =	ssyncadd.s32 @!p0 $0xFFFFC000  }
0x1c: {  	v4 =	vld [tilespmem:s30+$0xFFFFFFD0]  }
0x1d: {  	v16 =	vld [tilespmem:s30+$0x30]  }
0x1e: {  	v5 =	vld [tilespmem:s30+$0xFFFFFFC0]  }
0x1f: {  	v2 =	vld [tilespmem:s30+$0x20]  }
0x20: {  	v3 =	vld [tilespmem:s30+$0xFFFFFFF0]  }
0x21: {  	v1 =	vld [tilespmem:s30+$0x10]  }
0x22: {  	v0 =	vld [tilespmem:s30+$0x0]  }
0x23: {  	v19 =	vld [tilespmem:s30+$0xFFFFFFE0];
	v6 =	vmul.f32 v4, v4  }
0x24: {  	v7 =	vmul.f32 v5, v5  }
0x25: {  	v8 =	vmul.f32 v16, v16;
	v6 =	vmul.f32 $7.135481390e-02, v6  }
0x26: {  	v9 =	vmul.f32 v2, v2;
	v10 =	vmul.f32 v3, v3  }
0x27: {  	v11 =	vmul.f32 v0, v0;
	v8 =	vmul.f32 $7.135481390e-02, v8;
	v6 =	vsub.f32 $-1.595769170e+00, v6  }
0x28: {  	v12 =	vmul.f32 v1, v1;
	v13 =	vmul.f32 v19, v19  }
0x29: {  	v7 =	vmul.f32 $7.135481390e-02, v7;
	v8 =	vsub.f32 $-1.595769170e+00, v8;
	v6 =	vmul.f32 v6, v4  }
0x2a: {  	v9 =	vmul.f32 $7.135481390e-02, v9;
	v10 =	vmul.f32 $7.135481390e-02, v10  }
0x2b: {  	v8 =	vmul.f32 v8, v16;
	v14 =	vmul.f32 $1.442695020e+00, v6;
	v6 =	vsub.f32 $-1.595769170e+00, v7  }
0x2c: {  	v7 =	vsub.f32 $-1.595769170e+00, v10;
	v10 =	vmul.f32 $7.135481390e-02, v12;
	v12 =	vmul.f32 $7.135481390e-02, v13  }
0x2d: {  	v11 =	vmul.f32 $7.135481390e-02, v11;
	v9 =	vsub.f32 $-1.595769170e+00, v9;
	v6 =	vmul.f32 v6, v5  }
0x2e: {  	v8 =	vmul.f32 $1.442695020e+00, v8;
	v7 =	vmul.f32 v7, v3;
	v12 =	vsub.f32 $-1.595769170e+00, v12  }
0x2f: {  	v13 =	vmul.f32 v9, v2;
	v9 =	vsub.f32 $-1.595769170e+00, v10;
	v6 =	vmul.f32 $1.442695020e+00, v6  }
0x30: {  	s31 =	simm.s32 $0xC0;
	v15 =	vmul.f32 $1.442695020e+00, v7;
	v7 =	vsub.f32 $-1.595769170e+00, v11;
	v10 =	vmul.f32 v12, v19  }
0x31: {  	v11 =	vmul.f32 v9, v1;
	v12 =	vld [tilespmem:s31+$0xFFFFFFD0];
	(erf) = vpow2.f32 v6  }
0x32: {  	v9 =	vld [tilespmem:s31+$0xFFFFFFC0];
	v7 =	vmul.f32 v7, v0;
	v6 =	vmul.f32 $1.442695020e+00, v10  }
0x33: {  	v17 =	vmul.f32 $1.442695020e+00, v11;
	v10 =	vld [tilespmem:s31+$0x30];
	(erf) = vpow2.f32 v8  }
0x34: {  	v8 =	vld [tilespmem:s31+$0x10];
	(erf) = vpow2.f32 v6;
	v11 =	vmul.f32 $1.442695020e+00, v7  }
0x35: {  	v6 =	vld [tilespmem:s31+$0x20];
	(erf) = vpow2.f32 v14  }
0x36: {  	v13 =	vmul.f32 $1.442695020e+00, v13;
	v7 =	vld [tilespmem:s31+$0xFFFFFFF0];
	(erf) = vpow2.f32 v11  }
0x37: {  	v14 =	vmul.f32 v12, v12;
	(erf) = vpow2.f32 v15  }
0x38: {  	v11 =	vld [tilespmem:s31+$0x0];
	v15 =	vmul.f32 v9, v9;
	v18 =	vmul.f32 v10, v10  }
0x39: {  	v14 =	vmul.f32 $7.135481390e-02, v14;
	(erf) = vpow2.f32 v13  }
0x3a: {  	v23 =	vmul.f32 v8, v8;
	v13 =	vmul.f32 v6, v6  }
0x3b: {  	v15 =	vmul.f32 $7.135481390e-02, v15;
	v21 =	vmul.f32 v7, v7;
	v20 =	vpop (erf)  }
0x3c: {  	v14 =	vsub.f32 $-1.595769170e+00, v14;
	(erf) = vpow2.f32 v17;
	v17 =	vmul.f32 $7.135481390e-02, v18;
	v18 =	vpop (erf)  }
0x3d: {  	v23 =	vmul.f32 $7.135481390e-02, v23;
	v22 =	vmul.f32 v11, v11;
	v18 =	vadd.f32 $1.000000000e+00, v18  }
0x3e: {  	v25 =	vmul.f32 $7.135481390e-02, v13;
	v21 =	vmul.f32 $7.135481390e-02, v21;
	v28 =	vsub.f32 $-1.595769170e+00, v15  }
0x3f: {  	v14 =	vmul.f32 v14, v12;
	v13 =	vld [tilespmem:s31+$0xFFFFFFE0];
	v20 =	vadd.f32 $1.000000000e+00, v20;
	v24 =	vpop (erf);
	v17 =	vsub.f32 $-1.595769170e+00, v17  }
0x40: {  	v25 =	vsub.f32 $-1.595769170e+00, v25;
	v21 =	vsub.f32 $-1.595769170e+00, v21;
	v26 =	vpop (erf);
	(erf) = vrcp.f32 v18  }
0x41: {  	v28 =	vmul.f32 v28, v9;
	v22 =	vmul.f32 $7.135481390e-02, v22;
	v24 =	vadd.f32 $1.000000000e+00, v24;
	v18 =	vpop (erf)  }
0x42: {  	v23 =	vsub.f32 $-1.595769170e+00, v23;
	v17 =	vmul.f32 v17, v10;
	v21 =	vmul.f32 v21, v7;
	v27 =	vpop (erf)  }
0x43: {  	v26 =	vadd.f32 $1.000000000e+00, v26;
	v15 =	vmul.f32 v25, v6;
	(erf) = vrcp.f32 v24;
	v59 =	vpop (erf)  }
0x44: {  	v60 =	vmul.f32 v13, v13;
	(erf) = vrcp.f32 v20;
	v24 =	vadd.f32 $1.000000000e+00, v59  }
0x45: {  	v61 =	vmul.f32 $1.442695020e+00, v28;
	v27 =	vadd.f32 $1.000000000e+00, v27;
	v20 =	vpop (erf);
	(erf) = vrcp.f32 v26  }
0x46: {  	v25 =	vmul.f32 $7.135481390e-02, v60;
	v20 =	vadd.f32 $1.000000000e+00, v20;
	(erf) = vrcp.f32 v24  }
0x47: {  	v62 =	vadd.f32 $1.000000000e+00, v18;
	v18 =	vmul.f32 $1.442695020e+00, v21;
	(erf) = vrcp.f32 v27  }
0x48: {  	v21 =	vmul.f32 v23, v8;
	(erf) = vrcp.f32 v20  }
0x49: {  	v14 =	vmul.f32 $1.442695020e+00, v14;
	v17 =	vmul.f32 $1.442695020e+00, v17;
	v20 =	vsub.f32 $-1.595769170e+00, v25;
	v23 =	vpop (erf)  }
0x4a: {  	v22 =	vsub.f32 $-1.595769170e+00, v22;
	(erf) = vpow2.f32 v61;
	v23 =	vmul.f32 v23, v16  }
0x4b: {  	v16 =	vmul.f32 $1.442695020e+00, v21;
	v63 =	vmul.f32 v20, v13  }
0x4c: {  	s21 =	simm.s32 $0x8040;
	s23 =	simm.s32 $0x80;
	v21 =	vpop (erf);
	v20 =	vmul.f32 v22, v11;
	(erf) = vrcp.f32 v62  }
0x4d: {  	s24 =	simm.s32 $0x140;
	s22 =	simm.s32 $0x8040;
	s20 =	sshll.u32 s19, $0xF;
	[tilespmem:s21+$0x30] =	vst v23;
	v19 =	vmul.f32 v21, v19;
	v22 =	vmul.f32 $1.442695020e+00, v63;
	v21 =	vpop (erf)  }
.LBB2_3:
0x4e: {  	v23 =	vld [tilespmem:s24+$0xFFFFFFD0];
	s23 =	sadd.s32 $0x80, s23;
	(erf) = vpow2.f32 v17;
	v17 =	vmul.f32 v21, v5;
	s21 =	sadd.s32 $0x80, s21;
	v21 =	vpop (erf);
	v5 =	vmov v9  }
0x4f: {  	v24 =	vld [tilespmem:s24+$0x30];
	p1 =	slt.u32 s23, $0x3F80;
	(erf) = vpow2.f32 v22;
	v21 =	vmul.f32 v21, v4;
	[tilespmem:s22+$0xFFFFFFE0] =	vst v19;
	v19 =	vpop (erf);
	v4 =	vmov v12  }
0x50: {  	v9 =	vld [tilespmem:s24+$0xFFFFFFC0];
	(erf) = vpow2.f32 v14;
	[tilespmem:s22+$0xFFFFFFC0] =	vst v17;
	v14 =	vmul.f32 v19, v2;
	v12 =	vpop (erf);
	v2 =	vmov v6  }
0x51: {  	v17 =	vmul.f32 $1.442695020e+00, v20;
	v6 =	vld [tilespmem:s24+$0x20];
	v22 =	vmul.f32 v12, v3;
	v19 =	vpop (erf);
	v3 =	vmov v7  }
0x52: {  	v25 =	vmul.f32 $1.442695020e+00, v15;
	v7 =	vld [tilespmem:s24+$0xFFFFFFF0];
	[tilespmem:s22+$0xFFFFFFD0] =	vst v21;
	v19 =	vmul.f32 v19, v1;
	v1 =	vmov v8  }
0x53: {  	v20 =	vmul.f32 v23, v23;
	v8 =	vld [tilespmem:s24+$0x10];
	v21 =	vpop (erf);
	(erf) = vpow2.f32 v17;
	[tilespmem:s22+$0xFFFFFFF0] =	vst v22;
	v12 =	vmov v23  }
0x54: {  	v17 =	vld [tilespmem:s24+$0x0];
	v22 =	vmul.f32 v24, v24;
	v21 =	vadd.f32 $1.000000000e+00, v21;
	(erf) = vpow2.f32 v18;
	[tilespmem:s22+$0x20] =	vst v14  }
0x55: {  	v14 =	vmul.f32 v9, v9;
	(erf) = vpow2.f32 v25;
	[tilespmem:s22+$0x10] =	vst v19;
	v15 =	vpop (erf)  }
0x56: {  	v18 =	vmul.f32 v6, v6;
	v15 =	vmul.f32 v15, v0;
	v0 =	vmov v11  }
0x57: {  	v19 =	vmul.f32 $7.135481390e-02, v14;
	v14 =	vmul.f32 v7, v7;
	v23 =	vpop (erf)  }
0x58: {  	v27 =	vmul.f32 $7.135481390e-02, v20;
	v20 =	vpop (erf);
	(erf) = vpow2.f32 v16;
	[tilespmem:s22+$0x0] =	vst v15;
	s22 =	smov.u32 s21  }
0x59: {  	v15 =	vmul.f32 $7.135481390e-02, v22;
	v16 =	vmul.f32 v17, v17;
	v20 =	vadd.f32 $1.000000000e+00, v20;
	v22 =	vpop (erf)  }
0x5a: {  	v25 =	vsub.f32 $-1.595769170e+00, v27;
	v26 =	vmul.f32 v8, v8;
	v18 =	vmul.f32 $7.135481390e-02, v18;
	v11 =	vmovc v17  }
0x5b: {  	v14 =	vmul.f32 $7.135481390e-02, v14;
	v17 =	vadd.f32 $1.000000000e+00, v23;
	v15 =	vsub.f32 $-1.595769170e+00, v15  }
0x5c: {  	v23 =	vmul.f32 v25, v12;
	v18 =	vsub.f32 $-1.595769170e+00, v18;
	v22 =	vadd.f32 $1.000000000e+00, v22;
	v25 =	vld [tilespmem:s24+$0xFFFFFFE0];
	v27 =	vpop (erf)  }
0x5d: {  	v28 =	vsub.f32 $-1.595769170e+00, v14;
	v15 =	vmul.f32 v15, v24;
	v29 =	vpop (erf);
	(erf) = vrcp.f32 v17  }
0x5e: {  	v14 =	vmul.f32 $1.442695020e+00, v23;
	v23 =	vmul.f32 $7.135481390e-02, v26;
	v26 =	vadd.f32 $1.000000000e+00, v27;
	v27 =	vpop (erf)  }
0x5f: {  	v17 =	vmul.f32 $1.442695020e+00, v15;
	v27 =	vadd.f32 $1.000000000e+00, v27;
	(erf) = vrcp.f32 v20  }
0x60: {  	v19 =	vsub.f32 $-1.595769170e+00, v19;
	v15 =	vmul.f32 v18, v6;
	v20 =	vmul.f32 v28, v7  }
0x61: {  	v23 =	vsub.f32 $-1.595769170e+00, v23;
	v18 =	vmul.f32 v25, v25;
	(erf) = vrcp.f32 v21;
	v21 =	vpop (erf)  }
0x62: {  	v19 =	vmul.f32 v19, v9;
	v28 =	vadd.f32 $1.000000000e+00, v29;
	(erf) = vrcp.f32 v22  }
0x63: {  	v21 =	vadd.f32 $1.000000000e+00, v21;
	v18 =	vmul.f32 $7.135481390e-02, v18;
	(erf) = vrcp.f32 v27  }
0x64: {  	v19 =	vmul.f32 $1.442695020e+00, v19;
	(erf) = vrcp.f32 v28  }
0x65: {  	v16 =	vmul.f32 $7.135481390e-02, v16;
	(erf) = vrcp.f32 v21  }
.Ltmp2:
0x66: {  	v21 =	vsub.f32 $-1.595769170e+00, v18;
	v18 =	vmul.f32 $1.442695020e+00, v20;
	v20 =	vmul.f32 v23, v8;
	v22 =	vpop (erf);
	(pc) =	sbr.rel @p1 .LBB2_3-.Ltmp2, $4  }
0x67: {  	v23 =	vsub.f32 $-1.595769170e+00, v16;
	(erf) = vpow2.f32 v19;
	v19 =	vmul.f32 v22, v10;
	v10 =	vmovc v24  }
0x68: {  	v27 =	vmul.f32 v21, v25;
	v16 =	vmul.f32 $1.442695020e+00, v20;
	v24 =	vpop (erf)  }
0x69: {  	v20 =	vmul.f32 v23, v11;
	[tilespmem:s21+$0x30] =	vst v19;
	(erf) = vrcp.f32 v26  }
0x6a: {  	s24 =	sadd.s32 $0x80, s24;
	v22 =	vmul.f32 $1.442695020e+00, v27;
	v19 =	vmul.f32 v24, v13;
	v13 =	vmov v25;
	v21 =	vpop (erf)  }
0x6b: {  	(erf) = vpow2.f32 v17  }
0x6c: {  	v38 =	vmul.f32 $1.442695020e+00, v20;
	(erf) = vpow2.f32 v22  }
0x6d: {  	(erf) = vpow2.f32 v14  }
0x6e: {  	v39 =	vpop (erf);
	v15 =	vmul.f32 $1.442695020e+00, v15;
	(erf) = vpow2.f32 v38  }
0x6f: {  	v40 =	vpop (erf);
	(erf) = vpow2.f32 v18  }
0x70: {  	v41 =	vpop (erf);
	(erf) = vpow2.f32 v15  }
0x71: {  	v42 =	vpop (erf)  }
0x72: {  	v43 =	vpop (erf);
	(erf) = vpow2.f32 v16  }
0x73: {  	v44 =	vpop (erf)  }
0x74: {  	v45 =	vpop (erf)  }
0x75: {  	v23 =	vpop (erf)  }
0x76: {  	v16 =	vadd.f32 $1.000000000e+00, v45;
	v24 =	vpop (erf)  }
0x77: {  	v23 =	vadd.f32 $1.000000000e+00, v23;
	v25 =	vpop (erf)  }
0x78: {  	v20 =	vadd.f32 $1.000000000e+00, v43;
	(erf) = vrcp.f32 v16;
	v46 =	vpop (erf)  }
0x79: {  	v24 =	vadd.f32 $1.000000000e+00, v24;
	(erf) = vrcp.f32 v23;
	v47 =	vpop (erf)  }
0x7a: {  	(erf) = vrcp.f32 v20;
	v48 =	vadd.f32 $1.000000000e+00, v47  }
0x7b: {  	v16 =	vadd.f32 $1.000000000e+00, v46;
	(erf) = vrcp.f32 v24;
	v49 =	vpop (erf)  }
0x7c: {  	v5 =	vmul.f32 v21, v5;
	v20 =	vadd.f32 $1.000000000e+00, v49;
	(erf) = vrcp.f32 v48  }
0x7d: {  	v4 =	vmul.f32 v39, v4;
	[tilespmem:s22+$0xFFFFFFE0] =	vst v19;
	v50 =	vadd.f32 $1.000000000e+00, v25;
	(erf) = vrcp.f32 v16  }
0x7e: {  	[tilespmem:s22+$0xFFFFFFC0] =	vst v5;
	v2 =	vmul.f32 v40, v2;
	(erf) = vrcp.f32 v20  }
0x7f: {  	v3 =	vmul.f32 v41, v3;
	[tilespmem:s22+$0xFFFFFFD0] =	vst v4;
	(erf) = vrcp.f32 v50  }
0x80: {  	v1 =	vmul.f32 v42, v1;
	[tilespmem:s22+$0x20] =	vst v2  }
0x81: {  	[tilespmem:s22+$0xFFFFFFF0] =	vst v3;
	v0 =	vmul.f32 v44, v0;
	v51 =	vpop (erf)  }
0x82: {  	[tilespmem:s22+$0x10] =	vst v1;
	v52 =	vpop (erf);
	v53 =	vmul.f32 v51, v10  }
0x83: {  	s23 =	sadd.s32 $0x80, s21;
	[tilespmem:s22+$0x0] =	vst v0;
	v54 =	vpop (erf);
	v55 =	vmul.f32 v52, v13  }
0x84: {  	v56 =	vpop (erf);
	[tilespmem:s23+$0x30] =	vst v53;
	v57 =	vmul.f32 v54, v9  }
0x85: {  	v2 =	vmul.f32 v56, v12;
	[tilespmem:s23+$0xFFFFFFE0] =	vst v55;
	v58 =	vpop (erf)  }
0x86: {  	[tilespmem:s23+$0xFFFFFFC0] =	vst v57;
	v59 =	vpop (erf);
	v60 =	vmul.f32 v58, v6  }
0x87: {  	p1 =	sne.s32 s19, $0x3;
	[tilespmem:s23+$0xFFFFFFD0] =	vst v2;
	v0 =	vmul.f32 v59, v7;
	v61 =	vpop (erf)  }
.Ltmp3:
0x88: {  	v62 =	vmul.f32 v61, v8;
	v63 =	vpop (erf);
	[tilespmem:s23+$0x20] =	vst v60;
	(pc) =	sbr.rel @p1 .LBB2_6-.Ltmp3, $4  }
0x89: {  	s30 =	sor.u32 s3, s20;
	[tilespmem:s23+$0xFFFFFFF0] =	vst v0;
	v0 =	vmul.f32 v63, v11  }
0x8a: {  	s21 =	sshrl.u32 s30, $0x3;
	[tilespmem:s23+$0x10] =	vst v62  }
0x8b: {  	s31 =	sadd.s32 s5, s21;
	[tilespmem:s23+$0x0] =	vst v0  }
0x8c: {  	[hbm4b:s31+s2] =	stream.linear.scatter [tilespmem:s13], [sflag:$0x3], $0x4000, $0x38;
	[tilespmem:$0x10000] =	vst v63  }
.Ltmp4:
0x8d: {  	(pc) =	sbr.rel .LBB2_7-.Ltmp4, $4  }
0x8e: {  	_ = 	snop  }
0x8f: {  	_ =	swait.ge [sflag:s14], $0x4000  }
0x90: {  	[sflag:s14] =	ssyncset.done $0x0  }
0x91: {  	[sflag:s14] =	ssyncadd.s32 $0xFFFFC000  }
.LBB2_6:
0x92: {  	s22 =	sadd.s32 s20, s8  }
0x93: {  	s22 =	sshrl.u32 s22, $0x3  }
.Ltmp5:
0x94: {  	s22 =	sadd.s32 s4, s22;
	(pc) =	sbr.rel @p0 .LBB2_8-.Ltmp5, $4  }
0x95: {  	[tilespmem:s2], [sflag:$0x1] =	stream.linear.gather [hbm4b:s22+s2], $0x4000, $0x38;
	[tilespmem:$0x10000] =	vst v63  }
0x96: {  	_ =	swait.ge [sflag:s14], $0x4000  }
0x97: {  	[sflag:s14] =	ssyncset.done $0x0  }
0x98: {  	[sflag:s14] =	ssyncadd.s32 $0xFFFFC000  }
.LBB2_7:
0x99: {  	_ =	swait.ge [sflag:s15], $0x4000  }
0x9a: {  	[sflag:s15] =	ssyncset.done $0x0  }
0x9b: {  	[sflag:s15] =	ssyncadd.s32 $0xFFFFC000  }
.LBB2_8:
0x9c: {  	s22 =	simm.s32 $0x4040  }
0x9d: {  	v4 =	vld [tilespmem:s22+$0xFFFFFFD0]  }
0x9e: {  	v16 =	vld [tilespmem:s22+$0x30]  }
0x9f: {  	v5 =	vld [tilespmem:s22+$0xFFFFFFC0]  }
0xa0: {  	v2 =	vld [tilespmem:s22+$0x20]  }
0xa1: {  	v3 =	vld [tilespmem:s22+$0xFFFFFFF0]  }
0xa2: {  	v1 =	vld [tilespmem:s22+$0x10]  }
0xa3: {  	v0 =	vld [tilespmem:s22+$0x0]  }
0xa4: {  	v19 =	vld [tilespmem:s22+$0xFFFFFFE0];
	v6 =	vmul.f32 v4, v4  }
0xa5: {  	v7 =	vmul.f32 v5, v5  }
0xa6: {  	v8 =	vmul.f32 v16, v16;
	v6 =	vmul.f32 $7.135481390e-02, v6  }
0xa7: {  	v9 =	vmul.f32 v2, v2;
	v10 =	vmul.f32 v3, v3  }
0xa8: {  	v11 =	vmul.f32 v0, v0;
	v8 =	vmul.f32 $7.135481390e-02, v8;
	v6 =	vsub.f32 $-1.595769170e+00, v6  }
0xa9: {  	v12 =	vmul.f32 v1, v1;
	v13 =	vmul.f32 v19, v19  }
0xaa: {  	v7 =	vmul.f32 $7.135481390e-02, v7;
	v8 =	vsub.f32 $-1.595769170e+00, v8;
	v6 =	vmul.f32 v6, v4  }
0xab: {  	v9 =	vmul.f32 $7.135481390e-02, v9;
	v10 =	vmul.f32 $7.135481390e-02, v10  }
0xac: {  	v8 =	vmul.f32 v8, v16;
	v14 =	vmul.f32 $1.442695020e+00, v6;
	v6 =	vsub.f32 $-1.595769170e+00, v7  }
0xad: {  	v7 =	vsub.f32 $-1.595769170e+00, v10;
	v10 =	vmul.f32 $7.135481390e-02, v12;
	v12 =	vmul.f32 $7.135481390e-02, v13  }
0xae: {  	v11 =	vmul.f32 $7.135481390e-02, v11;
	v9 =	vsub.f32 $-1.595769170e+00, v9;
	v6 =	vmul.f32 v6, v5  }
0xaf: {  	v8 =	vmul.f32 $1.442695020e+00, v8;
	v7 =	vmul.f32 v7, v3;
	v12 =	vsub.f32 $-1.595769170e+00, v12  }
0xb0: {  	v13 =	vmul.f32 v9, v2;
	v9 =	vsub.f32 $-1.595769170e+00, v10;
	v6 =	vmul.f32 $1.442695020e+00, v6  }
0xb1: {  	s31 =	simm.s32 $0x40C0;
	v15 =	vmul.f32 $1.442695020e+00, v7;
	v7 =	vsub.f32 $-1.595769170e+00, v11;
	v10 =	vmul.f32 v12, v19  }
0xb2: {  	v11 =	vmul.f32 v9, v1;
	v12 =	vld [tilespmem:s31+$0xFFFFFFD0];
	(erf) = vpow2.f32 v6  }
0xb3: {  	v9 =	vld [tilespmem:s31+$0xFFFFFFC0];
	v7 =	vmul.f32 v7, v0;
	v6 =	vmul.f32 $1.442695020e+00, v10  }
0xb4: {  	v17 =	vmul.f32 $1.442695020e+00, v11;
	v10 =	vld [tilespmem:s31+$0x30];
	(erf) = vpow2.f32 v8  }
0xb5: {  	v8 =	vld [tilespmem:s31+$0x10];
	(erf) = vpow2.f32 v6;
	v11 =	vmul.f32 $1.442695020e+00, v7  }
0xb6: {  	v6 =	vld [tilespmem:s31+$0x20];
	(erf) = vpow2.f32 v14  }
0xb7: {  	v13 =	vmul.f32 $1.442695020e+00, v13;
	v7 =	vld [tilespmem:s31+$0xFFFFFFF0];
	(erf) = vpow2.f32 v11  }
0xb8: {  	v14 =	vmul.f32 v12, v12;
	(erf) = vpow2.f32 v15  }
0xb9: {  	v11 =	vld [tilespmem:s31+$0x0];
	v15 =	vmul.f32 v9, v9;
	v18 =	vmul.f32 v10, v10  }
0xba: {  	v14 =	vmul.f32 $7.135481390e-02, v14;
	(erf) = vpow2.f32 v13  }
0xbb: {  	v23 =	vmul.f32 v8, v8;
	v13 =	vmul.f32 v6, v6  }
0xbc: {  	v15 =	vmul.f32 $7.135481390e-02, v15;
	v21 =	vmul.f32 v7, v7;
	v20 =	vpop (erf)  }
0xbd: {  	v14 =	vsub.f32 $-1.595769170e+00, v14;
	(erf) = vpow2.f32 v17;
	v17 =	vmul.f32 $7.135481390e-02, v18;
	v18 =	vpop (erf)  }
0xbe: {  	v23 =	vmul.f32 $7.135481390e-02, v23;
	v22 =	vmul.f32 v11, v11;
	v18 =	vadd.f32 $1.000000000e+00, v18  }
0xbf: {  	v25 =	vmul.f32 $7.135481390e-02, v13;
	v21 =	vmul.f32 $7.135481390e-02, v21;
	v28 =	vsub.f32 $-1.595769170e+00, v15  }
0xc0: {  	v14 =	vmul.f32 v14, v12;
	v13 =	vld [tilespmem:s31+$0xFFFFFFE0];
	v20 =	vadd.f32 $1.000000000e+00, v20;
	v24 =	vpop (erf);
	v17 =	vsub.f32 $-1.595769170e+00, v17  }
0xc1: {  	v25 =	vsub.f32 $-1.595769170e+00, v25;
	v21 =	vsub.f32 $-1.595769170e+00, v21;
	v26 =	vpop (erf);
	(erf) = vrcp.f32 v18  }
0xc2: {  	v28 =	vmul.f32 v28, v9;
	v22 =	vmul.f32 $7.135481390e-02, v22;
	v24 =	vadd.f32 $1.000000000e+00, v24;
	v18 =	vpop (erf)  }
0xc3: {  	v23 =	vsub.f32 $-1.595769170e+00, v23;
	v17 =	vmul.f32 v17, v10;
	v21 =	vmul.f32 v21, v7;
	v27 =	vpop (erf)  }
0xc4: {  	v26 =	vadd.f32 $1.000000000e+00, v26;
	v15 =	vmul.f32 v25, v6;
	(erf) = vrcp.f32 v24;
	v59 =	vpop (erf)  }
0xc5: {  	v60 =	vmul.f32 v13, v13;
	(erf) = vrcp.f32 v20;
	v24 =	vadd.f32 $1.000000000e+00, v59  }
0xc6: {  	v61 =	vmul.f32 $1.442695020e+00, v28;
	v27 =	vadd.f32 $1.000000000e+00, v27;
	v20 =	vpop (erf);
	(erf) = vrcp.f32 v26  }
0xc7: {  	v25 =	vmul.f32 $7.135481390e-02, v60;
	v20 =	vadd.f32 $1.000000000e+00, v20;
	(erf) = vrcp.f32 v24  }
0xc8: {  	v62 =	vadd.f32 $1.000000000e+00, v18;
	v18 =	vmul.f32 $1.442695020e+00, v21;
	(erf) = vrcp.f32 v27  }
0xc9: {  	v21 =	vmul.f32 v23, v8;
	(erf) = vrcp.f32 v20  }
0xca: {  	v14 =	vmul.f32 $1.442695020e+00, v14;
	v17 =	vmul.f32 $1.442695020e+00, v17;
	v20 =	vsub.f32 $-1.595769170e+00, v25;
	v23 =	vpop (erf)  }
0xcb: {  	v22 =	vsub.f32 $-1.595769170e+00, v22;
	(erf) = vpow2.f32 v61;
	v23 =	vmul.f32 v23, v16  }
0xcc: {  	v16 =	vmul.f32 $1.442695020e+00, v21;
	v63 =	vmul.f32 v20, v13  }
0xcd: {  	s22 =	simm.s32 $0xC040;
	v21 =	vpop (erf);
	v20 =	vmul.f32 v22, v11;
	(erf) = vrcp.f32 v62  }
0xce: {  	s24 =	simm.s32 $0x80;
	s25 =	simm.s32 $0x4140;
	s23 =	simm.s32 $0xC040;
	v19 =	vmul.f32 v21, v19;
	[tilespmem:s22+$0x30] =	vst v23;
	v22 =	vmul.f32 $1.442695020e+00, v63;
	v21 =	vpop (erf)  }
.LBB2_9:
0xcf: {  	v23 =	vld [tilespmem:s25+$0xFFFFFFD0];
	s24 =	sadd.s32 $0x80, s24;
	(erf) = vpow2.f32 v17;
	v17 =	vmul.f32 v21, v5;
	s22 =	sadd.s32 $0x80, s22;
	v21 =	vpop (erf);
	v5 =	vmov v9  }
0xd0: {  	v24 =	vld [tilespmem:s25+$0x30];
	p0 =	slt.u32 s24, $0x3F80;
	(erf) = vpow2.f32 v22;
	v21 =	vmul.f32 v21, v4;
	[tilespmem:s23+$0xFFFFFFE0] =	vst v19;
	v19 =	vpop (erf);
	v4 =	vmov v12  }
0xd1: {  	v9 =	vld [tilespmem:s25+$0xFFFFFFC0];
	(erf) = vpow2.f32 v14;
	[tilespmem:s23+$0xFFFFFFC0] =	vst v17;
	v14 =	vmul.f32 v19, v2;
	v12 =	vpop (erf);
	v2 =	vmov v6  }
0xd2: {  	v17 =	vmul.f32 $1.442695020e+00, v20;
	v6 =	vld [tilespmem:s25+$0x20];
	v22 =	vmul.f32 v12, v3;
	v19 =	vpop (erf);
	v3 =	vmov v7  }
0xd3: {  	v25 =	vmul.f32 $1.442695020e+00, v15;
	v7 =	vld [tilespmem:s25+$0xFFFFFFF0];
	[tilespmem:s23+$0xFFFFFFD0] =	vst v21;
	v19 =	vmul.f32 v19, v1;
	v1 =	vmov v8  }
0xd4: {  	v20 =	vmul.f32 v23, v23;
	v8 =	vld [tilespmem:s25+$0x10];
	v21 =	vpop (erf);
	(erf) = vpow2.f32 v17;
	[tilespmem:s23+$0xFFFFFFF0] =	vst v22;
	v12 =	vmov v23  }
0xd5: {  	v17 =	vld [tilespmem:s25+$0x0];
	v22 =	vmul.f32 v24, v24;
	v21 =	vadd.f32 $1.000000000e+00, v21;
	(erf) = vpow2.f32 v18;
	[tilespmem:s23+$0x20] =	vst v14  }
0xd6: {  	v14 =	vmul.f32 v9, v9;
	(erf) = vpow2.f32 v25;
	[tilespmem:s23+$0x10] =	vst v19;
	v15 =	vpop (erf)  }
0xd7: {  	v18 =	vmul.f32 v6, v6;
	v15 =	vmul.f32 v15, v0;
	v0 =	vmov v11  }
0xd8: {  	v19 =	vmul.f32 $7.135481390e-02, v14;
	v14 =	vmul.f32 v7, v7;
	v23 =	vpop (erf)  }
0xd9: {  	v27 =	vmul.f32 $7.135481390e-02, v20;
	v20 =	vpop (erf);
	(erf) = vpow2.f32 v16;
	[tilespmem:s23+$0x0] =	vst v15;
	s23 =	smov.u32 s22  }
0xda: {  	v15 =	vmul.f32 $7.135481390e-02, v22;
	v16 =	vmul.f32 v17, v17;
	v20 =	vadd.f32 $1.000000000e+00, v20;
	v22 =	vpop (erf)  }
0xdb: {  	v25 =	vsub.f32 $-1.595769170e+00, v27;
	v26 =	vmul.f32 v8, v8;
	v18 =	vmul.f32 $7.135481390e-02, v18;
	v11 =	vmovc v17  }
0xdc: {  	v14 =	vmul.f32 $7.135481390e-02, v14;
	v17 =	vadd.f32 $1.000000000e+00, v23;
	v15 =	vsub.f32 $-1.595769170e+00, v15  }
0xdd: {  	v23 =	vmul.f32 v25, v12;
	v18 =	vsub.f32 $-1.595769170e+00, v18;
	v22 =	vadd.f32 $1.000000000e+00, v22;
	v25 =	vld [tilespmem:s25+$0xFFFFFFE0];
	v27 =	vpop (erf)  }
0xde: {  	v28 =	vsub.f32 $-1.595769170e+00, v14;
	v15 =	vmul.f32 v15, v24;
	v29 =	vpop (erf);
	(erf) = vrcp.f32 v17  }
0xdf: {  	v14 =	vmul.f32 $1.442695020e+00, v23;
	v23 =	vmul.f32 $7.135481390e-02, v26;
	v26 =	vadd.f32 $1.000000000e+00, v27;
	v27 =	vpop (erf)  }
0xe0: {  	v17 =	vmul.f32 $1.442695020e+00, v15;
	v27 =	vadd.f32 $1.000000000e+00, v27;
	(erf) = vrcp.f32 v20  }
0xe1: {  	v19 =	vsub.f32 $-1.595769170e+00, v19;
	v15 =	vmul.f32 v18, v6;
	v20 =	vmul.f32 v28, v7  }
0xe2: {  	v23 =	vsub.f32 $-1.595769170e+00, v23;
	v18 =	vmul.f32 v25, v25;
	(erf) = vrcp.f32 v21;
	v21 =	vpop (erf)  }
0xe3: {  	v19 =	vmul.f32 v19, v9;
	v28 =	vadd.f32 $1.000000000e+00, v29;
	(erf) = vrcp.f32 v22  }
0xe4: {  	v21 =	vadd.f32 $1.000000000e+00, v21;
	v18 =	vmul.f32 $7.135481390e-02, v18;
	(erf) = vrcp.f32 v27  }
0xe5: {  	v19 =	vmul.f32 $1.442695020e+00, v19;
	(erf) = vrcp.f32 v28  }
0xe6: {  	v16 =	vmul.f32 $7.135481390e-02, v16;
	(erf) = vrcp.f32 v21  }
.Ltmp6:
0xe7: {  	v21 =	vsub.f32 $-1.595769170e+00, v18;
	v18 =	vmul.f32 $1.442695020e+00, v20;
	v20 =	vmul.f32 v23, v8;
	v22 =	vpop (erf);
	(pc) =	sbr.rel @p0 .LBB2_9-.Ltmp6, $4  }
0xe8: {  	v23 =	vsub.f32 $-1.595769170e+00, v16;
	(erf) = vpow2.f32 v19;
	v19 =	vmul.f32 v22, v10;
	v10 =	vmovc v24  }
0xe9: {  	v27 =	vmul.f32 v21, v25;
	v16 =	vmul.f32 $1.442695020e+00, v20;
	v24 =	vpop (erf)  }
0xea: {  	v20 =	vmul.f32 v23, v11;
	[tilespmem:s22+$0x30] =	vst v19;
	(erf) = vrcp.f32 v26  }
0xeb: {  	s25 =	sadd.s32 $0x80, s25;
	v22 =	vmul.f32 $1.442695020e+00, v27;
	v19 =	vmul.f32 v24, v13;
	v13 =	vmov v25;
	v21 =	vpop (erf)  }
0xec: {  	(erf) = vpow2.f32 v17  }
0xed: {  	v38 =	vmul.f32 $1.442695020e+00, v20;
	(erf) = vpow2.f32 v22  }
0xee: {  	(erf) = vpow2.f32 v14  }
0xef: {  	v39 =	vpop (erf);
	v15 =	vmul.f32 $1.442695020e+00, v15;
	(erf) = vpow2.f32 v38  }
0xf0: {  	v40 =	vpop (erf);
	(erf) = vpow2.f32 v18  }
0xf1: {  	v41 =	vpop (erf);
	(erf) = vpow2.f32 v15  }
0xf2: {  	v42 =	vpop (erf)  }
0xf3: {  	v43 =	vpop (erf);
	(erf) = vpow2.f32 v16  }
0xf4: {  	v44 =	vpop (erf)  }
0xf5: {  	v45 =	vpop (erf)  }
0xf6: {  	v23 =	vpop (erf)  }
0xf7: {  	v16 =	vadd.f32 $1.000000000e+00, v45;
	v24 =	vpop (erf)  }
0xf8: {  	v23 =	vadd.f32 $1.000000000e+00, v23;
	v25 =	vpop (erf)  }
0xf9: {  	v20 =	vadd.f32 $1.000000000e+00, v43;
	(erf) = vrcp.f32 v16;
	v46 =	vpop (erf)  }
0xfa: {  	v24 =	vadd.f32 $1.000000000e+00, v24;
	(erf) = vrcp.f32 v23;
	v47 =	vpop (erf)  }
0xfb: {  	(erf) = vrcp.f32 v20;
	v48 =	vadd.f32 $1.000000000e+00, v47  }
0xfc: {  	v16 =	vadd.f32 $1.000000000e+00, v46;
	(erf) = vrcp.f32 v24;
	v49 =	vpop (erf)  }
0xfd: {  	v5 =	vmul.f32 v21, v5;
	v20 =	vadd.f32 $1.000000000e+00, v49;
	(erf) = vrcp.f32 v48  }
0xfe: {  	v4 =	vmul.f32 v39, v4;
	[tilespmem:s23+$0xFFFFFFE0] =	vst v19;
	v50 =	vadd.f32 $1.000000000e+00, v25;
	(erf) = vrcp.f32 v16  }
0xff: {  	[tilespmem:s23+$0xFFFFFFC0] =	vst v5;
	v2 =	vmul.f32 v40, v2;
	(erf) = vrcp.f32 v20  }
0x100: {  	v3 =	vmul.f32 v41, v3;
	[tilespmem:s23+$0xFFFFFFD0] =	vst v4;
	(erf) = vrcp.f32 v50  }
0x101: {  	v1 =	vmul.f32 v42, v1;
	[tilespmem:s23+$0x20] =	vst v2  }
0x102: {  	[tilespmem:s23+$0xFFFFFFF0] =	vst v3;
	v0 =	vmul.f32 v44, v0;
	v51 =	vpop (erf)  }
0x103: {  	[tilespmem:s23+$0x10] =	vst v1;
	v52 =	vpop (erf);
	v53 =	vmul.f32 v51, v10  }
0x104: {  	s22 =	sadd.s32 $0x80, s22;
	[tilespmem:s23+$0x0] =	vst v0;
	v54 =	vpop (erf);
	v55 =	vmul.f32 v52, v13  }
0x105: {  	v56 =	vpop (erf);
	[tilespmem:s22+$0x30] =	vst v53;
	v57 =	vmul.f32 v54, v9  }
0x106: {  	v2 =	vmul.f32 v56, v12;
	[tilespmem:s22+$0xFFFFFFE0] =	vst v55;
	v58 =	vpop (erf)  }
0x107: {  	[tilespmem:s22+$0xFFFFFFC0] =	vst v57;
	v59 =	vpop (erf);
	v60 =	vmul.f32 v58, v6  }
0x108: {  	p0 =	seq.s32 s19, $0x3;
	[tilespmem:s22+$0xFFFFFFD0] =	vst v2;
	v0 =	vmul.f32 v59, v7;
	v61 =	vpop (erf)  }
.Ltmp7:
0x109: {  	v62 =	vmul.f32 v61, v8;
	v63 =	vpop (erf);
	[tilespmem:s22+$0x20] =	vst v60;
	(pc) =	sbr.rel @p0 .LBB2_12-.Ltmp7, $4  }
0x10a: {  	[tilespmem:s22+$0xFFFFFFF0] =	vst v0;
	v0 =	vmul.f32 v63, v11  }
0x10b: {  	s21 =	sadd.s32 s21, s5;
	[tilespmem:s22+$0x10] =	vst v62  }
0x10c: {  	s21 =	sadd.s32 $0x800, s21;
	[tilespmem:s22+$0x0] =	vst v0  }
0x10d: {  	[hbm4b:s21+s2] =	stream.linear.scatter [tilespmem:s16], [sflag:$0x4], $0x4000, $0x38;
	[tilespmem:$0x10000] =	vst v63  }
.Ltmp8:
0x10e: {  	(pc) =	sbr.rel .LBB2_2-.Ltmp8, $4  }
0x10f: {  	s20 =	sadd.s32 s20, s9  }
0x110: {  	s20 =	sshrl.u32 s20, $0x3  }
0x111: {  	s19 =	sadd.s32 $0x1, s19;
	s20 =	sadd.s32 s4, s20  }
0x112: {  	[tilespmem:s11], [sflag:$0x2] =	stream.linear.gather [hbm4b:s20+s2], $0x4000, $0x38;
	[tilespmem:$0x10000] =	vst v63  }
.LBB2_13:
0x113: {  	_ =	sfence.sel $0x180000  }
0x114: {  	[bflag:$0x0] =	sbarrier.arrive $0xFFFF  }
0x115: {  	p0 =	sne.s32 s1, $0x0;
	_ =	strace $0x9000004A  }
0x116: {  	s0 =	sadd.s32 @!p0 $0x100000, s0;
	[bflag:$0x2] =	sbarrier.arrive $0xFFFF  }
0x117: {  	[sflag:s0] =	ssyncadd.tile.s32 @!p0 $0x1;
	_ =	shalt  }
.Lfunc_end2:
_tile_overlayer_lowered:
.L_overlay_start_2:
0x118: {  	(tag) =	ssettag $0x2  }
0x119: {  	s0 =	rddreg [dreg:$0x0];
	s2 =	stileid.u32  }
0x11a: {  	s1 =	rddreg [dreg:$0x1];
	p0 =	sne.s32 s2, $0x0  }
0x11b: {  	s3 =	rddreg [dreg:$0x2];
	[bflag:$0x3] =	sbarrier.arrive $0xFFFF;
	s2 =	simm.s32 @!p0 $0x1C05  }
0x11c: {  	[timem:s3], [sflag:s2] =	dma.local @!p0 [hbm:s0], s1  }
0x11d: {  	s0 =	simm.s32 @!p0 $0x5  }
0x11e: {  	_ =	swait.ge @!p0 [sflag:s0], s1  }
0x11f: {  	s1 =	ssub.s32 @!p0 $0x0, s1;
	[sflag:s0] =	ssyncset.done @!p0 $0x0  }
0x120: {  	[sflag:s0] =	ssyncadd.s32 @!p0 s1  }
0x121: {  	[bflag:$0x3] =	sbarrier.arrive $0xFFFF  }
0x122: {  	_ =	shalt  }

// kernel: sparse-core-data-format-call.cloned.1.call-start
scs
called_computation_lowered:
.L_overlay_start_0:
0x0: {  	s2 =	sld [smem:$0x3FD9]  }
0x1: {  	s3 =	sld [smem:$0x3FFE];
	_ =	sdelay $0x1  }
0x2: {  	s1 =	srdreg.scid  }
0x3: {  	s0 =	sand.u32 $0x1, s1  }
0x4: {  	s18 =	sshll.u32 s0, $0xA;
	s2 =	sadd.s32 s3, s2  }
0x5: {  	s2 =	sadd.s32 s2, s18  }
0x6: {  	[smem:$0x3FC7] =	sst s2  }
0x7: {  	_ = 	snop  }
0x8: {  	s2 =	sld [smem:$0x3FD0];
	(tm) =	ssettm $0x1  }
0x9: {  	s19 =	sld [smem:$0x3FFB];
	_ =	sdelay $0x3  }
0xa: {  	_ =	strace s19  }
0xb: {  	s3 =	sld [smem:$0x3FFC];
	_ =	sdelay $0x3  }
0xc: {  	_ =	strace s3  }
0xd: {  	s3 =	sld [smem:$0x3FFD];
	_ =	sdelay $0x3  }
0xe: {  	_ =	strace s3  }
0xf: {  	_ =	strace $0x8FFFFFFF  }
0x10: {  	s20 =	sld [smem:$0x3FDB];
	_ =	sdelay $0x1  }
0x11: {  	s4 =	simm.s32 $_scs_section_size  }
0x12: {  	s5 =	simm.s32 $_size__tile_overlayer_lowered;
	s6 =	simm.s32 $_tile_overlayer_lowered  }
0x13: {  	s23 =	simm.s32 $0x1BFF;
	s22 =	sshll.u32 s6, $0x1;
	s3 =	sadd.s32 s4, s20  }
0x14: {  	s7 =	simm.s32 $0x0;
	s21 =	sshll.u32 s5, $0x1;
	s5 =	sadd.s32 s22, s3  }
0x15: {  	[timem:s7], [sflag:s23] =	dma.local [hbm:s5], s21  }
0x16: {  	_ =	swait.ge [sflag:s23], s21  }
0x17: {  	s4 =	ssub.s32 $0x0, s21;
	[sflag:s23] =	ssyncset.done $0x0  }
0x18: {  	[sflag:s23] =	ssyncadd.s32 s4;
	_ =	sdelay $0x1  }
0x19: {  	s24 =	simm.s32 $0x1B8B  }
0x1a: {  	_ =	swait.ge [sflag:s24], $0x1  }
0x1b: {  	[sflag:s24] =	ssyncset.done $0x0  }
0x1c: {  	s26 =	simm.s32 $0x1B8E;
	s25 =	sld [smem:$0x3FFE];
	[sflag:s24] =	ssyncadd.s32 $0xFFFFFFFF  }
0x1d: {  	s27 =	simm.s32 $execute0_lowered;
	[smem:$0x3FD2] =	sst s26  }
0x1e: {  	s5 =	sshll.u32 s27, $0x1;
	_ =	strace $0x80000046;
	[dreg:$0x1] =	wrdreg $0xFFFFFFFF  }
0x1f: {  	s28 =	simm.s32 $_size_execute0_lowered;
	s3 =	sadd.s32 s3, s5;
	[dreg:$0x0] =	wrdreg $0x0  }
0x20: {  	s5 =	sshll.u32 s28, $0x1;
	[dreg:$0x2] =	wrdreg s3  }
0x21: {  	[dreg:$0x3] =	wrdreg s5  }
0x22: {  	[dreg:$0x4] =	wrdreg $0xC0  }
0x23: {  	_ =	task [dreg:s7], $0x5FFFF  }
0x24: {  	[dreg:$0x1] =	wrdreg $0xFFFFFFFF  }
0x25: {  	[dreg:$0x0] =	wrdreg $0x60  }
0x26: {  	[dreg:$0x2] =	wrdreg s2  }
0x27: {  	[dreg:$0x3] =	wrdreg s25  }
0x28: {  	[dreg:$0x4] =	wrdreg $0x9  }
0x29: {  	_ =	task.clear_ibuf [dreg:s7], $0x5FFFF;
	_ =	strace $0x90000046  }
0x2a: {  	s29 =	simm.s32 $0x9;
	_ =	strace $0x80000048  }
0x2b: {  	_ =	swait.ge [sflag:s29], $0x1  }
0x2c: {  	[sflag:s29] =	ssyncadd.s32 $0xFFFFFFFF  }
0x2d: {  	_ =	strace $0x90000048  }
0x2e: {  	_ =	sfence  }
0x2f: {  	s30 =	sld [smem:$0x0];
	_ =	sdelay $0x2  }
0x30: {  	s31 =	sshll.u32 s1, $0xD;
	s1 =	sshrl.u32 s1, $0x2  }
0x31: {  	s3 =	sand.u32 $0x4000, s31;
	s1 =	sadd.s32 s1, s30  }
0x32: {  	s0 =	sor.u32 s3, s0;
	s1 =	sshll.u32 s1, $0x11  }
0x33: {  	s0 =	sor.u32 s1, s0  }
0x34: {  	s0 =	sadd.s32 $0x8F2B, s0  }
0x35: {  	[sflag:s0] =	ssyncadd.remote.s32 $0x1  }
0x36: {  	_ =	sfence.sel $0xFFFF  }
0x37: {  	[dreg:$0x0] =	wrdreg $0xFFFFFFFF;
	(pc) =	sbr.abs _section_cstart, $3  }
0x38: {  	[dreg:$0x1] =	wrdreg $0xFFFFFFFF  }
0x39: {  	_ =	task.clear_ibuf [dreg:s7], $0x2FFFF;
	_ =	strace $0x9FFFFFFF  }
0x3a: {  	(tm) =	ssettm $0x7FFFFFFF  }
0x3b: {  	_ =	shalt  }
tec
execute0_lowered:
.L_overlay_start_1:
0x0: {  	(tag) =	ssettag $0x1  }
0x1: {  	s2 =	rddreg [dreg:$0x0]  }
0x2: {  	s1 =	rddreg [dreg:$0x1]  }
0x3: {  	s0 =	rddreg [dreg:$0x2];
	_ =	strace $0x80000047;
	s4 =	srdreg.scid  }
.Ltmp0:
0x4: {  	s6 =	simm.s32 $0x2;
	p0 =	por $0x0, $0x0;
	(pc) =	sbr.rel .LBB1_1-.Ltmp0, $4  }
0x5: {  	s9 =	simm.s32 $0x0;
	s3 =	sadd.s32 $0x800, s1;
	s5 =	sshll.u32 s4, $0x4  }
0x6: {  	s1 =	stileid.u32;
	s4 =	simm.s32 $0x1;
	s5 =	sand.u32 $0x10, s5  }
0x7: {  	s7 =	simm.s32 $0x0;
	[sflag:s4] =	ssyncpa.u1 $0x0;
	s5 =	sor.u32 s1, s5  }
0x8: {  	[sflag:s6] =	ssyncpa.u1 $0x0;
	s6 =	simm.s32 $0x0;
	s8 =	smov.u32 s5  }
.LBB1_7:
0x9: {  	s11 =	sadd.s32 $0x20, s8  }
0xa: {  	p1 =	slt.u32 s7, $0x2;
	s7 =	sadd.s32 $0x1, s7;
	p2 =	sgt.s32 s11, $0x7FF  }
0xb: {  	s11 =	smov.u32 @p2 s5;
	p2 =	sne.s32 s7, $0x42  }
.Ltmp1:
0xc: {  	_ = 	snop;
	(pc) =	sbr.rel @!p2 .LBB1_8-.Ltmp1, $4  }
0xd: {  	s10 =	simm.s32 @!p1 $0x2  }
0xe: {  	_ =	swait.ge @!p1 [sflag:s10], $0x4000  }
0xf: {  	s9 =	smov.u32 s8;
	[sflag:s10] =	ssyncset.done @!p1 $0x0  }
0x10: {  	p0 =	por !p0, !p0;
	s8 =	smov.u32 s11;
	[sflag:s10] =	ssyncadd.s32 @!p1 $0xFFFFC000  }
.LBB1_1:
0x11: {  	p1 =	sgt.u32 s7, $0x3F  }
0x12: {  	s10 =	sxor.u32 @!p1 $0xFFFFFFFF, s7  }
0x13: {  	s11 =	sshll.u32 @!p1 s8, $0xB;
	s10 =	sshll.u32 @!p1 s10, $0xE  }
0x14: {  	s12 =	simm.s32 @!p1 $0x0;
	s11 =	sadd.s32 @!p1 s2, s11;
	s10 =	sand.u32 @!p1 $0x4000, s10  }
0x15: {  	[tilespmem:s10], [sflag:$0x1] =	stream.linear.gather @!p1 [hbm4b:s11+s12], $0x4000, $0x38;
	[tilespmem:$0x10000] =	vst v63  }
0x16: {  	p1 =	seq.s32 s7, $0x0  }
0x17: {  	p2 =	seq.s32 @!p1 s7, $0x41  }
0x18: {  	p1 =	por p1, p2  }
.Ltmp2:
0x19: {  	_ = 	snop;
	(pc) =	sbr.rel @p1 .LBB1_7-.Ltmp2, $1  }
0x1a: {  	_ =	sdelay $0x3  }
0x1b: {  	s10 =	simm.s32 $0x1;
	_ =	swait.ge [sflag:s4], $0x4000;
	s12 =	sshll.u32 s7, $0xE  }
0x1c: {  	s13 =	simm.s32 $0x0;
	s10 =	simm.s32 @!p0 $0x0;
	[sflag:s4] =	ssyncset.done $0x0  }
0x1d: {  	s12 =	sand.u32 $0x4000, s12;
	s11 =	sshll.u32 s10, $0xE;
	[sflag:s4] =	ssyncadd.s32 $0xFFFFC000  }
0x1e: {  	s12 =	sor.u32 $0x8000, s12;
	s10 =	sor.u32 $0x8040, s11;
	s11 =	sor.u32 $0x40, s11  }
.LBB1_3:
0x1f: {  	v0 =	vmov s11;
	_ =	sdelay $0x3  }
0x20: {  	s15 =	simm.s32 $0x0  }
0x21: {  	v6 =	vld.idx.msk [tilespmem:v0+s15+$0x30 ss:$0x1], $0xffff  }
0x22: {  	v7 =	vld.idx.msk [tilespmem:v0+s15+$0xFFFFFFC0 ss:$0x1], $0xffff  }
0x23: {  	v5 =	vld.idx.msk [tilespmem:v0+s15+$0xFFFFFFD0 ss:$0x1], $0xffff  }
0x24: {  	v4 =	vld.idx.msk [tilespmem:v0+s15+$0xFFFFFFE0 ss:$0x1], $0xffff  }
0x25: {  	v3 =	vld.idx.msk [tilespmem:v0+s15+$0xFFFFFFF0 ss:$0x1], $0xffff  }
0x26: {  	v1 =	vld.idx.msk [tilespmem:v0+s15+$0x0 ss:$0x1], $0xffff  }
0x27: {  	v2 =	vld.idx.msk [tilespmem:v0+s15+$0x10 ss:$0x1], $0xffff;
	[tilespmem:s10+$0x30] =	vst v6  }
0x28: {  	s14 =	simm.s32 $0x80;
	s16 =	simm.s32 $0x400;
	[tilespmem:s10+$0xFFFFFFC0] =	vst v7;
	v6 =	vld.idx.msk [tilespmem:v0+s15+$0x20 ss:$0x1], $0xffff;
	s15 =	smov.u32 s10  }
.LBB1_4:
0x29: {  	p1 =	sne.s32 s16, $0xE00;
	v7 =	vld.idx.msk [tilespmem:v0+s14+$0x30 ss:$0x1], $0xffff;
	[tilespmem:s15+$0xFFFFFFD0] =	vst v5  }
0x2a: {  	v8 =	vld.idx.msk [tilespmem:v0+s14+$0xFFFFFFC0 ss:$0x1], $0xffff;
	[tilespmem:s15+$0xFFFFFFE0] =	vst v4  }
0x2b: {  	v5 =	vld.idx.msk [tilespmem:v0+s14+$0xFFFFFFD0 ss:$0x1], $0xffff;
	[tilespmem:s15+$0xFFFFFFF0] =	vst v3  }
.Ltmp3:
0x2c: {  	v4 =	vld.idx.msk [tilespmem:v0+s14+$0xFFFFFFE0 ss:$0x1], $0xffff;
	[tilespmem:s15+$0x0] =	vst v1;
	(pc) =	sbr.rel @p1 .LBB1_4-.Ltmp3, $4  }
0x2d: {  	v3 =	vld.idx.msk [tilespmem:v0+s14+$0xFFFFFFF0 ss:$0x1], $0xffff;
	[tilespmem:s15+$0x10] =	vst v2  }
0x2e: {  	v1 =	vld.idx.msk [tilespmem:v0+s14+$0x0 ss:$0x1], $0xffff;
	[tilespmem:s15+$0x20] =	vst v6;
	s15 =	sadd.s32 $0x800, s15  }
0x2f: {  	v2 =	vld.idx.msk [tilespmem:v0+s14+$0x10 ss:$0x1], $0xffff;
	[tilespmem:s15+$0x30] =	vst v7  }
0x30: {  	[tilespmem:s15+$0xFFFFFFC0] =	vst v8;
	v6 =	vld.idx.msk [tilespmem:v0+s14+$0x20 ss:$0x1], $0xffff;
	s14 =	sshra.s32 s16, $0x2;
	s16 =	sadd.s32 $0x200, s16  }
0x31: {  	_ =	sdelay $0x2  }
0x32: {  	[tilespmem:s15+$0xFFFFFFD0] =	vst v5  }
0x33: {  	v56 =	vld.idx.msk [tilespmem:v0+s14+$0x30 ss:$0x1], $0xffff;
	[tilespmem:s15+$0xFFFFFFE0] =	vst v4  }
0x34: {  	v57 =	vld.idx.msk [tilespmem:v0+s14+$0xFFFFFFC0 ss:$0x1], $0xffff;
	[tilespmem:s15+$0xFFFFFFF0] =	vst v3  }
0x35: {  	v58 =	vld.idx.msk [tilespmem:v0+s14+$0xFFFFFFD0 ss:$0x1], $0xffff;
	[tilespmem:s15+$0x0] =	vst v1  }
0x36: {  	v59 =	vld.idx.msk [tilespmem:v0+s14+$0xFFFFFFE0 ss:$0x1], $0xffff;
	[tilespmem:s15+$0x10] =	vst v2  }
0x37: {  	v60 =	vld.idx.msk [tilespmem:v0+s14+$0xFFFFFFF0 ss:$0x1], $0xffff;
	s31 =	sadd.s32 $0x800, s15;
	[tilespmem:s15+$0x20] =	vst v6  }
0x38: {  	v61 =	vld.idx.msk [tilespmem:v0+s14+$0x0 ss:$0x1], $0xffff;
	[tilespmem:s31+$0x30] =	vst v56  }
0x39: {  	v62 =	vld.idx.msk [tilespmem:v0+s14+$0x10 ss:$0x1], $0xffff;
	s13 =	sadd.s32 $0x1, s13;
	[tilespmem:s31+$0xFFFFFFC0] =	vst v57  }
0x3a: {  	v63 =	vld.idx.msk [tilespmem:v0+s14+$0x20 ss:$0x1], $0xffff;
	p1 =	sne.s32 s13, $0x10;
	[tilespmem:s31+$0xFFFFFFD0] =	vst v58  }
.Ltmp4:
0x3b: {  	[tilespmem:s31+$0xFFFFFFE0] =	vst v59;
	(pc) =	sbr.rel @p1 .LBB1_3-.Ltmp4, $4  }
0x3c: {  	[tilespmem:s31+$0xFFFFFFF0] =	vst v60  }
0x3d: {  	[tilespmem:s31+$0x0] =	vst v61  }
0x3e: {  	[tilespmem:s31+$0x10] =	vst v62  }
0x3f: {  	s10 =	sadd.s32 $0x80, s10;
	s11 =	sadd.s32 $0x400, s11;
	[tilespmem:s31+$0x20] =	vst v63  }
.Ltmp5:
0x40: {  	(pc) =	sbr.rel .LBB1_7-.Ltmp5, $4  }
0x41: {  	_ = 	snop  }
0x42: {  	s9 =	sshll.u32 s9, $0xB  }
0x43: {  	s9 =	sadd.s32 s3, s9  }
0x44: {  	[hbm4b:s9+s6] =	stream.linear.scatter [tilespmem:s12], [sflag:$0x2], $0x4000, $0x38;
	[tilespmem:$0x10000] =	vst v63  }
.LBB1_8:
0x45: {  	_ =	sfence.sel $0x180000  }
0x46: {  	s2 =	simm.s32 $0x1;
	[bflag:$0x0] =	sbarrier.arrive $0xFFFF  }
0x47: {  	s31 =	simm.s32 $0x2;
	[sflag:s2] =	ssyncpa.u1 $0x1  }
0x48: {  	[sflag:s31] =	ssyncpa.u1 $0x1  }
0x49: {  	p0 =	sne.s32 s1, $0x0;
	_ =	strace $0x90000047  }
0x4a: {  	s0 =	sadd.s32 @!p0 $0x100000, s0;
	[bflag:$0x2] =	sbarrier.arrive $0xFFFF  }
0x4b: {  	[sflag:s0] =	ssyncadd.tile.s32 @!p0 $0x1;
	_ =	shalt  }
.Lfunc_end1:
_tile_overlayer_lowered:
.L_overlay_start_2:
0x4c: {  	(tag) =	ssettag $0x2  }
0x4d: {  	s0 =	rddreg [dreg:$0x0];
	s2 =	stileid.u32  }
0x4e: {  	s1 =	rddreg [dreg:$0x1];
	p0 =	sne.s32 s2, $0x0  }
0x4f: {  	s3 =	rddreg [dreg:$0x2];
	[bflag:$0x3] =	sbarrier.arrive $0xFFFF;
	s2 =	simm.s32 @!p0 $0x1C01  }
0x50: {  	[timem:s3], [sflag:s2] =	dma.local @!p0 [hbm:s0], s1  }
0x51: {  	s0 =	simm.s32 @!p0 $0x1  }
0x52: {  	_ =	swait.ge @!p0 [sflag:s0], s1  }
0x53: {  	s1 =	ssub.s32 @!p0 $0x0, s1;
	[sflag:s0] =	ssyncset.done @!p0 $0x0  }
0x54: {  	[sflag:s0] =	ssyncadd.s32 @!p0 s1  }
0x55: {  	[bflag:$0x3] =	sbarrier.arrive $0xFFFF  }
0x56: {  	_ =	shalt  }

</sc_bundles>
